<compile_context>
chip_gen: v7x
topology: tpu7x:2x2x1
jax: 0.10.2.dev20260603
libtpu: 0.0.44.dev20260713+nightly
codegen_flags: <defaults>
</compile_context>

<pallas_src>
import functools

import jax
import jax.numpy as jnp
from jax import lax
from jax.experimental import pallas as pl
from jax.experimental.pallas import tpu as pltpu
from jax.experimental.pallas import tpu_sc as plsc

EPS = 1e-15
N = 10000
E = 160000
F = 128
H = 4
HF = H * F
NRBF = 20
CUTOFF = 5.0

NC = 2
NS = 16
NW = NC * NS
L = 16


@functools.lru_cache(maxsize=None)
def _sc_mesh():
    return plsc.VectorSubcoreMesh(
        core_axis_name="c", subcore_axis_name="s",
        num_cores=NC, num_subcores=NS)


EPW = E // NW
GCH = 128
G_FULL = EPW // GCH
G_TAIL = EPW - G_FULL * GCH


@functools.lru_cache(maxsize=None)
def _build_sc_gather():
    @functools.partial(
        pl.kernel,
        mesh=_sc_mesh(),
        out_type=(
            jax.ShapeDtypeStruct((E, F), jnp.float32),
            jax.ShapeDtypeStruct((E, F), jnp.float32),
            jax.ShapeDtypeStruct((E, 3 * F), jnp.float32),
        ),
        scratch_types=[
            pltpu.VMEM((GCH,), jnp.int32),
            pltpu.VMEM((GCH,), jnp.int32),
            pltpu.VMEM((GCH, F), jnp.float32),
            pltpu.VMEM((GCH, F), jnp.float32),
            pltpu.VMEM((GCH, 3 * F), jnp.float32),
            pltpu.VMEM((G_TAIL,), jnp.int32),
            pltpu.VMEM((G_TAIL,), jnp.int32),
            pltpu.VMEM((G_TAIL, F), jnp.float32),
            pltpu.VMEM((G_TAIL, F), jnp.float32),
            pltpu.VMEM((G_TAIL, 3 * F), jnp.float32),
            pltpu.SemaphoreType.DMA,
            pltpu.SemaphoreType.DMA,
            pltpu.SemaphoreType.DMA,
        ],
    )
    def _sc_gather(s_hbm, vjf_hbm, ii_hbm, jj_hbm,
                   gi_hbm, gj_hbm, gvj_hbm,
                   ii_v, jj_v, gi_v, gj_v, gvj_v,
                   ii_t, jj_t, gi_t, gj_t, gvj_t,
                   sem1, sem2, sem3):
        wid = lax.axis_index("s") * NC + lax.axis_index("c")
        base0 = wid * EPW

        def do_chunk(base, n, iiv, jjv, giv, gjv, gvjv):
            pltpu.sync_copy(ii_hbm.at[pl.ds(base, n)], iiv)
            pltpu.sync_copy(jj_hbm.at[pl.ds(base, n)], jjv)
            c1 = pltpu.async_copy(s_hbm.at[iiv], giv, sem1)
            c2 = pltpu.async_copy(s_hbm.at[jjv], gjv, sem2)
            c3 = pltpu.async_copy(vjf_hbm.at[jjv], gvjv, sem3)
            c1.wait()
            c2.wait()
            c3.wait()
            pltpu.sync_copy(giv, gi_hbm.at[pl.ds(base, n)])
            pltpu.sync_copy(gjv, gj_hbm.at[pl.ds(base, n)])
            pltpu.sync_copy(gvjv, gvj_hbm.at[pl.ds(base, n)])

        def body(c, carry):
            do_chunk(base0 + c * GCH, GCH, ii_v, jj_v, gi_v, gj_v, gvj_v)
            return carry

        lax.fori_loop(0, G_FULL, body, 0)
        do_chunk(base0 + G_FULL * GCH, G_TAIL,
                 ii_t, jj_t, gi_t, gj_t, gvj_t)

    return _sc_gather


BE = 1000
GRID_E = E // BE


def _sigmoid(x):
    return 1.0 / (1.0 + jnp.exp(-x))


def _edge_body(gi_ref, gj_ref, gvj_ref, r_ref, g_ref, b_ref,
               wq_ref, wk_ref, wv_ref, wdk_ref, bdk_ref, wdv_ref, bdv_ref,
               wd_ref, bd_ref, out_ref):
    g = g_ref[...]
    b = b_ref[...]

    def ln(x):
        m = jnp.mean(x, axis=-1, keepdims=True)
        d = x - m
        v = jnp.mean(d * d, axis=-1, keepdims=True)
        return d / jnp.sqrt(v + 1e-5) * g + b

    li = ln(gi_ref[...])
    lj = ln(gj_ref[...])
    q = jnp.dot(li, wq_ref[...], preferred_element_type=jnp.float32)
    k = jnp.dot(lj, wk_ref[...], preferred_element_type=jnp.float32)
    v = jnp.dot(lj, wv_ref[...], preferred_element_type=jnp.float32)

    r = r_ref[...]
    dist = jnp.sqrt(jnp.sum(r * r + EPS, axis=-1, keepdims=True))
    unit = r / dist
    sigma = CUTOFF / (NRBF - 1)
    mu = lax.broadcasted_iota(jnp.int32, (1, NRBF), 1).astype(jnp.float32) * sigma
    dd = dist - mu
    rbf = jnp.exp(dd * dd * (-1.0 / (2.0 * sigma * sigma)))
    dk = jnp.dot(rbf, wdk_ref[...], preferred_element_type=jnp.float32) + bdk_ref[...]
    dk = dk * _sigmoid(dk)
    dv = jnp.dot(rbf, wdv_ref[...], preferred_element_type=jnp.float32) + bdv_ref[...]
    dv = dv * _sigmoid(dv)

    qkd = q * k * dk
    msg_cols = []
    for h in range(H):
        sl = slice(h * F, (h + 1) * F)
        a = jnp.sum(qkd[:, sl], axis=-1, keepdims=True)
        a = a * _sigmoid(a)
        msg_cols.append(v[:, sl] * dv[:, sl] * a)
    msg = jnp.concatenate(msg_cols, axis=-1)

    inv = jnp.dot(msg, wd_ref[...], preferred_element_type=jnp.float32) + bd_ref[...]
    s0 = inv[:, 0:F]
    s1 = inv[:, F:2 * F]
    s2 = inv[:, 2 * F:3 * F]

    kk3 = lax.broadcasted_iota(jnp.int32, (F, 3 * F), 1)
    ff = lax.broadcasted_iota(jnp.int32, (F, 3 * F), 0)
    R = (kk3 // 3 == ff).astype(jnp.float32)
    kt = lax.broadcasted_iota(jnp.int32, (3, 3 * F), 1)
    cc = lax.broadcasted_iota(jnp.int32, (3, 3 * F), 0)
    T = (kt % 3 == cc).astype(jnp.float32)

    s0_rep = jnp.dot(s0, R, preferred_element_type=jnp.float32)
    s2_rep = jnp.dot(s2, R, preferred_element_type=jnp.float32)
    u_rep = jnp.dot(unit, T, preferred_element_type=jnp.float32)
    dv_out = s2_rep * u_rep + s0_rep * gvj_ref[...]
    out_ref[...] = jnp.concatenate([s1, dv_out], axis=-1)


_edge_call = pl.pallas_call(
    _edge_body,
    grid=(GRID_E,),
    in_specs=[
        pl.BlockSpec((BE, F), lambda e: (e, 0)),
        pl.BlockSpec((BE, F), lambda e: (e, 0)),
        pl.BlockSpec((BE, 3 * F), lambda e: (e, 0)),
        pl.BlockSpec((BE, 3), lambda e: (e, 0)),
        pl.BlockSpec((1, F), lambda e: (0, 0)),
        pl.BlockSpec((1, F), lambda e: (0, 0)),
        pl.BlockSpec((F, HF), lambda e: (0, 0)),
        pl.BlockSpec((F, HF), lambda e: (0, 0)),
        pl.BlockSpec((F, HF), lambda e: (0, 0)),
        pl.BlockSpec((NRBF, HF), lambda e: (0, 0)),
        pl.BlockSpec((1, HF), lambda e: (0, 0)),
        pl.BlockSpec((NRBF, HF), lambda e: (0, 0)),
        pl.BlockSpec((1, HF), lambda e: (0, 0)),
        pl.BlockSpec((HF, 3 * F), lambda e: (0, 0)),
        pl.BlockSpec((1, 3 * F), lambda e: (0, 0)),
    ],
    out_specs=pl.BlockSpec((BE, 4 * F), lambda e: (e, 0)),
    out_shape=jax.ShapeDtypeStruct((E, 4 * F), jnp.float32),
)


EPT = E // NS
SCH = 128
S_FULL = EPT // SCH
S_TAIL = EPT - S_FULL * SCH
NPT = 624
NREM = N - NS * NPT
NREM_OFF = NS * NPT
NZC = NPT // SCH
NZR = NPT - NZC * SCH


@functools.lru_cache(maxsize=None)
def _build_sc_scatter():
    @functools.partial(
        pl.kernel,
        mesh=_sc_mesh(),
        out_type=(
            jax.ShapeDtypeStruct((N, F), jnp.float32),
            jax.ShapeDtypeStruct((N, 3 * F), jnp.float32),
        ),
        scratch_types=[
            pltpu.VMEM((SCH,), jnp.int32),
            pltpu.VMEM((SCH, F), jnp.float32),
            pltpu.VMEM((S_TAIL,), jnp.int32),
            pltpu.VMEM((S_TAIL, F), jnp.float32),
            pltpu.VMEM((SCH, F), jnp.float32),
            pltpu.VMEM_SHARED((N, F), jnp.float32),
        ],
    )
    def _sc_scatter(eo_hbm, ii_hbm, outs_hbm, outv_hbm,
                    idx_v, rows_v, idx_t, rows_t, zb, acc):
        cid = lax.axis_index("c")
        sid = lax.axis_index("s")
        ebase = sid * EPT

        zv = jnp.zeros((L,), jnp.float32)

        def zrow(rr, carry):
            for gg in range(F // L):
                zb[rr, pl.ds(gg * L, L)] = zv
            return carry

        lax.fori_loop(0, SCH, zrow, 0)

        for t in range(2):
            ch = cid * 2 + t
            coloff = ch * F
            rb = sid * NPT
            for zc in range(NZC):
                pltpu.sync_copy(zb, acc.at[pl.ds(rb + zc * SCH, SCH)])
            pltpu.sync_copy(zb.at[pl.ds(0, NZR)],
                            acc.at[pl.ds(rb + NZC * SCH, NZR)])

            @pl.when(sid == NS - 1)
            def _zero_rem():
                pltpu.sync_copy(zb.at[pl.ds(0, NREM)],
                                acc.at[pl.ds(NREM_OFF, NREM)])

            plsc.subcore_barrier()

            def body(c, carry):
                bb = ebase + c * SCH
                pltpu.sync_copy(ii_hbm.at[pl.ds(bb, SCH)], idx_v)
                pltpu.sync_copy(eo_hbm.at[pl.ds(bb, SCH), pl.ds(coloff, F)],
                                rows_v)
                pltpu.sync_copy(rows_v, acc.at[idx_v], add=True)
                return carry

            lax.fori_loop(0, S_FULL, body, 0)
            bb = ebase + S_FULL * SCH
            pltpu.sync_copy(ii_hbm.at[pl.ds(bb, S_TAIL)], idx_t)
            pltpu.sync_copy(eo_hbm.at[pl.ds(bb, S_TAIL), pl.ds(coloff, F)],
                            rows_t)
            pltpu.sync_copy(rows_t, acc.at[idx_t], add=True)
            plsc.subcore_barrier()

            vcol = coloff - F
            if t == 0:
                @pl.when(cid == 0)
                def _ws():
                    pltpu.sync_copy(acc.at[pl.ds(sid * NPT, NPT)],
                                    outs_hbm.at[pl.ds(sid * NPT, NPT)])

                    @pl.when(sid == NS - 1)
                    def _ws_rem():
                        pltpu.sync_copy(acc.at[pl.ds(NREM_OFF, NREM)],
                                        outs_hbm.at[pl.ds(NREM_OFF, NREM)])

                @pl.when(cid != 0)
                def _wv0():
                    pltpu.sync_copy(
                        acc.at[pl.ds(sid * NPT, NPT)],
                        outv_hbm.at[pl.ds(sid * NPT, NPT), pl.ds(vcol, F)])

                    @pl.when(sid == NS - 1)
                    def _wv0_rem():
                        pltpu.sync_copy(
                            acc.at[pl.ds(NREM_OFF, NREM)],
                            outv_hbm.at[pl.ds(NREM_OFF, NREM), pl.ds(vcol, F)])
            else:
                pltpu.sync_copy(
                    acc.at[pl.ds(sid * NPT, NPT)],
                    outv_hbm.at[pl.ds(sid * NPT, NPT), pl.ds(vcol, F)])

                @pl.when(sid == NS - 1)
                def _wv1_rem():
                    pltpu.sync_copy(
                        acc.at[pl.ds(NREM_OFF, NREM)],
                        outv_hbm.at[pl.ds(NREM_OFF, NREM), pl.ds(vcol, F)])

            plsc.subcore_barrier()

    return _sc_scatter


def kernel(s_j, v_j, r_ij, nbrs, ln_gamma, ln_beta, Wq, Wk, Wv,
           Wdk, bdk, Wdv, bdv, Wd, bd):
    nb = nbrs.astype(jnp.int32)
    sel_i = jnp.array([1, 0], jnp.int32)
    sel_j = jnp.array([0, 1], jnp.int32)
    ii = jnp.sum(nb * sel_i[None, :], axis=1, dtype=jnp.int32)
    jj = jnp.sum(nb * sel_j[None, :], axis=1, dtype=jnp.int32)
    vjf = v_j.reshape(N, 3 * F)

    gi, gj, gvj = _build_sc_gather()(s_j, vjf, ii, jj)

    eo = _edge_call(gi, gj, gvj, r_ij,
                    ln_gamma.reshape(1, F), ln_beta.reshape(1, F),
                    Wq, Wk, Wv, Wdk, bdk.reshape(1, HF),
                    Wdv, bdv.reshape(1, HF), Wd, bd.reshape(1, 3 * F))

    delta_s, dvf = _build_sc_scatter()(eo, ii)
    return delta_s, dvf.reshape(N, F, 3)

# --- scband reference (transcript-rebuilt; emitter-appended) ---
"""Pipeline reference for scband-transformer-message-block-13005160972670 (READ-ONLY COPY).

The authoritative reference and input builder live on the scoring server;
editing this copy changes nothing except your own understanding.
"""

import jax, jax.numpy as jnp
import numpy as np

EPS = 1e-15
N = 10000
E = 160000
F = 128
H = 4
N_RBF = 20
CUTOFF = 5.0


def gaussian_rbf(dist):
    mu = jnp.linspace(0.0, CUTOFF, N_RBF)
    sigma = CUTOFF / (N_RBF - 1)
    return jnp.exp(-((dist[:, None] - mu[None, :]) ** 2) / (2.0 * sigma ** 2))


def layer_norm(x, g, b):
    m = x.mean(-1, keepdims=True)
    v = x.var(-1, keepdims=True)
    return (x - m) / jnp.sqrt(v + 1e-5) * g + b


def setup_inputs(seed: int = 0):
    key = jax.random.key(seed)
    ks = jax.random.split(key, 16)
    s_j = jax.random.normal(ks[0], (N, F), jnp.float32)
    v_j = jax.random.normal(ks[1], (N, F, 3), jnp.float32)
    r_ij = jax.random.normal(ks[2], (E, 3), jnp.float32)
    nbrs = jax.random.randint(ks[3], (E, 2), 0, N)
    sq = 1.0 / np.sqrt(F)
    Wq = jax.random.normal(ks[4], (F, H * F), jnp.float32) * sq
    Wk = jax.random.normal(ks[5], (F, H * F), jnp.float32) * sq
    Wv = jax.random.normal(ks[6], (F, H * F), jnp.float32) * sq
    Wdk = jax.random.normal(ks[7], (N_RBF, H * F), jnp.float32) / np.sqrt(N_RBF)
    bdk = jnp.zeros((H * F,), jnp.float32)
    Wdv = jax.random.normal(ks[8], (N_RBF, H * F), jnp.float32) / np.sqrt(N_RBF)
    bdv = jnp.zeros((H * F,), jnp.float32)
    Wd = jax.random.normal(ks[9], (H * F, 3 * F), jnp.float32) / np.sqrt(H * F)
    bd = jnp.zeros((3 * F,), jnp.float32)
    ln_gamma = jnp.ones((F,), jnp.float32)
    ln_beta = jnp.zeros((F,), jnp.float32)
    return {"s_j": s_j, "v_j": v_j, "r_ij": r_ij, "nbrs": nbrs,
            "ln_gamma": ln_gamma, "ln_beta": ln_beta,
            "Wq": Wq, "Wk": Wk, "Wv": Wv,
            "Wdk": Wdk, "bdk": bdk, "Wdv": Wdv, "bdv": bdv,
            "Wd": Wd, "bd": bd}


def reference(s_j, v_j, r_ij, nbrs, ln_gamma, ln_beta, Wq, Wk, Wv, Wdk, bdk, Wdv, bdv, Wd, bd):
    # preprocess_r
    dist = jnp.sqrt((r_ij ** 2 + EPS).sum(-1))
    unit = r_ij / dist[:, None]
    i = nbrs[:, 0]
    j = nbrs[:, 1]
    # InvariantTransformerMessage: layer_norm -> MDMessage (distance-modulated MHA over edges) -> Dense
    inp = layer_norm(s_j, ln_gamma, ln_beta)
    rbf = gaussian_rbf(dist)
    dk = jax.nn.silu(rbf @ Wdk + bdk).reshape(E, H, F)
    dv = jax.nn.silu(rbf @ Wdv + bdv).reshape(E, H, F)
    q = (inp @ Wq).reshape(N, H, F)
    k = (inp @ Wk).reshape(N, H, F)
    v = (inp @ Wv).reshape(N, H, F)
    attn = jax.nn.silu((q[i] * k[j] * dk).sum(-1))  # [E, H]
    msg = (v[j] * dv * attn[:, :, None]).reshape(E, H * F)
    inv_out = (msg @ Wd + bd).reshape(E, 3, F)
    # MessageBase combine
    split_0 = inv_out[:, 0, :][:, :, None]
    split_1 = inv_out[:, 1, :]
    split_2 = inv_out[:, 2, :][:, :, None]
    unit_add = split_2 * unit[:, None, :]
    delta_v_ij = unit_add + split_0 * v_j[j]
    delta_s_i = jax.ops.segment_sum(split_1, i, num_segments=N)
    delta_v_i = jax.ops.segment_sum(delta_v_ij, i, num_segments=N)
    return delta_s_i, delta_v_i

if __name__ == "__main__":
    import jax
    _d = setup_inputs()
    print(jax.jit(kernel)(*tuple(_d.values())))

</pallas_src>

<mosaic_0001>
#map = affine_map<(d0, d1) -> (0, 0)>
#map1 = affine_map<(d0, d1) -> (0)>
module attributes {stable_mosaic.version = 14 : i64} {
  func.func @_sc_gather(%arg0: i32, %arg1: i32, %arg2: memref<10000x128xf32, #tpu.memory_space<hbm>>, %arg3: memref<10000x384xf32, #tpu.memory_space<hbm>>, %arg4: memref<160000xi32, #tpu.memory_space<hbm>>, %arg5: memref<160000xi32, #tpu.memory_space<hbm>>, %arg6: memref<160000x128xf32, #tpu.memory_space<hbm>>, %arg7: memref<160000x128xf32, #tpu.memory_space<hbm>>, %arg8: memref<160000x384xf32, #tpu.memory_space<hbm>>, %arg9: memref<128xi32, #tpu.memory_space<vmem>>, %arg10: memref<128xi32, #tpu.memory_space<vmem>>, %arg11: memref<128x128xf32, #tpu.memory_space<vmem>>, %arg12: memref<128x128xf32, #tpu.memory_space<vmem>>, %arg13: memref<128x384xf32, #tpu.memory_space<vmem>>, %arg14: memref<8xi32, #tpu.memory_space<vmem>>, %arg15: memref<8xi32, #tpu.memory_space<vmem>>, %arg16: memref<8x128xf32, #tpu.memory_space<vmem>>, %arg17: memref<8x128xf32, #tpu.memory_space<vmem>>, %arg18: memref<8x384xf32, #tpu.memory_space<vmem>>, %arg19: memref<!tpu.dma_semaphore, #tpu.memory_space<semaphore_mem>>, %arg20: memref<!tpu.dma_semaphore, #tpu.memory_space<semaphore_mem>>, %arg21: memref<!tpu.dma_semaphore, #tpu.memory_space<semaphore_mem>>) attributes {dimension_semantics = [#tpu.dimension_semantics<core_parallel>, #tpu.dimension_semantics<subcore_parallel>], iteration_bounds = array<i64: 2, 16>, scalar_prefetch = 0 : i64, scratch_operands = 13 : i64, tpu.core_type = #tpu.core_type<sc_vector_subcore>, window_params = [{transform_indices = #map}, {transform_indices = #map}, {transform_indices = #map1}, {transform_indices = #map1}, {transform_indices = #map}, {transform_indices = #map}, {transform_indices = #map}]} {
    %mul3A = arith.constant 2 : i32
    %mul3A_0 = arith.muli %arg1, %mul3A : i32
    %add3A = arith.addi %mul3A_0, %arg0 : i32
    %mul3A_1 = arith.constant 5000 : i32
    %mul3A_2 = arith.muli %add3A, %mul3A_1 : i32
    %scan3A = arith.constant 0 : i32
    %scan3A_3 = arith.constant 0 : i32
    %scan3A_4 = arith.constant 39 : i32
    %scan3A_5 = arith.addi %scan3A_3, %scan3A_4 : i32
    %scan3A_6 = arith.constant 1 : i32
    scf.for %scan3A_26 = %scan3A_3 to %scan3A_5 step %scan3A_6  : i32 {
      %mul3A_27 = arith.constant 128 : i32
      %mul3A_28 = arith.muli %scan3A_26, %mul3A_27 : i32
      %add3A_29 = arith.addi %mul3A_2, %mul3A_28 : i32
      "tpu.region"() ({
        %run_scoped3A = tpu.sem_alloc : memref<!tpu.dma_semaphore, #tpu.memory_space<semaphore_mem>>
        %dma_start3A_48 = tpu.memref_slice %arg4[%add3A_29] : memref<160000xi32, #tpu.memory_space<hbm>> -> memref<128xi32, #tpu.memory_space<hbm>>
        %dma_start3A_49 = tpu.memref_slice %arg4[%add3A_29] : memref<160000xi32, #tpu.memory_space<hbm>> -> memref<128xi32, #tpu.memory_space<hbm>>
        tpu.enqueue_dma source(%dma_start3A_49 : memref<128xi32, #tpu.memory_space<hbm>>) target(%arg9 : memref<128xi32, #tpu.memory_space<vmem>>) target_semaphore(%run_scoped3A : memref<!tpu.dma_semaphore, #tpu.memory_space<semaphore_mem>>)
        %dma_wait3A_50 = tpu.memref_slice %arg4[%add3A_29] : memref<160000xi32, #tpu.memory_space<hbm>> -> memref<128xi32, #tpu.memory_space<hbm>>
        %dma_wait3A_51 = tpu.memref_slice %arg4[%add3A_29] : memref<160000xi32, #tpu.memory_space<hbm>> -> memref<128xi32, #tpu.memory_space<hbm>>
        tpu.wait_dma2 semaphore(%run_scoped3A : memref<!tpu.dma_semaphore, #tpu.memory_space<semaphore_mem>>) src(%dma_wait3A_51 : memref<128xi32, #tpu.memory_space<hbm>>) dst(%arg9 : memref<128xi32, #tpu.memory_space<vmem>>)
        tpu.yield
      }) : () -> ()
      "tpu.region"() ({
        %run_scoped3A = tpu.sem_alloc : memref<!tpu.dma_semaphore, #tpu.memory_space<semaphore_mem>>
        %dma_start3A_48 = tpu.memref_slice %arg5[%add3A_29] : memref<160000xi32, #tpu.memory_space<hbm>> -> memref<128xi32, #tpu.memory_space<hbm>>
        %dma_start3A_49 = tpu.memref_slice %arg5[%add3A_29] : memref<160000xi32, #tpu.memory_space<hbm>> -> memref<128xi32, #tpu.memory_space<hbm>>
        tpu.enqueue_dma source(%dma_start3A_49 : memref<128xi32, #tpu.memory_space<hbm>>) target(%arg10 : memref<128xi32, #tpu.memory_space<vmem>>) target_semaphore(%run_scoped3A : memref<!tpu.dma_semaphore, #tpu.memory_space<semaphore_mem>>)
        %dma_wait3A_50 = tpu.memref_slice %arg5[%add3A_29] : memref<160000xi32, #tpu.memory_space<hbm>> -> memref<128xi32, #tpu.memory_space<hbm>>
        %dma_wait3A_51 = tpu.memref_slice %arg5[%add3A_29] : memref<160000xi32, #tpu.memory_space<hbm>> -> memref<128xi32, #tpu.memory_space<hbm>>
        tpu.wait_dma2 semaphore(%run_scoped3A : memref<!tpu.dma_semaphore, #tpu.memory_space<semaphore_mem>>) src(%dma_wait3A_51 : memref<128xi32, #tpu.memory_space<hbm>>) dst(%arg10 : memref<128xi32, #tpu.memory_space<vmem>>)
        tpu.yield
      }) : () -> ()
      %dma_start3A_30 = arith.constant 0 : i32
      %dma_start3A_31 = arith.constant 0 : i32
      %dma_start3A_32 = tpu.memref_slice %arg2[%dma_start3A_30, %dma_start3A_31] : memref<10000x128xf32, #tpu.memory_space<hbm>> -> memref<10000x128xf32, #tpu.memory_space<hbm>>
      tpu.enqueue_indirect_dma source(%dma_start3A_32 : memref<10000x128xf32, #tpu.memory_space<hbm>>) target(%arg11 : memref<128x128xf32, #tpu.memory_space<vmem>>) offsets(%arg9 : memref<128xi32, #tpu.memory_space<vmem>>) semaphore(%arg19 : memref<!tpu.dma_semaphore, #tpu.memory_space<semaphore_mem>>)
      %dma_start3A_33 = arith.constant 0 : i32
      %dma_start3A_34 = arith.constant 0 : i32
      %dma_start3A_35 = tpu.memref_slice %arg2[%dma_start3A_33, %dma_start3A_34] : memref<10000x128xf32, #tpu.memory_space<hbm>> -> memref<10000x128xf32, #tpu.memory_space<hbm>>
      tpu.enqueue_indirect_dma source(%dma_start3A_35 : memref<10000x128xf32, #tpu.memory_space<hbm>>) target(%arg12 : memref<128x128xf32, #tpu.memory_space<vmem>>) offsets(%arg10 : memref<128xi32, #tpu.memory_space<vmem>>) semaphore(%arg20 : memref<!tpu.dma_semaphore, #tpu.memory_space<semaphore_mem>>)
      %dma_start3A_36 = arith.constant 0 : i32
      %dma_start3A_37 = arith.constant 0 : i32
      %dma_start3A_38 = tpu.memref_slice %arg3[%dma_start3A_36, %dma_start3A_37] : memref<10000x384xf32, #tpu.memory_space<hbm>> -> memref<10000x384xf32, #tpu.memory_space<hbm>>
      tpu.enqueue_indirect_dma source(%dma_start3A_38 : memref<10000x384xf32, #tpu.memory_space<hbm>>) target(%arg13 : memref<128x384xf32, #tpu.memory_space<vmem>>) offsets(%arg10 : memref<128xi32, #tpu.memory_space<vmem>>) semaphore(%arg21 : memref<!tpu.dma_semaphore, #tpu.memory_space<semaphore_mem>>)
      %dma_wait3A_39 = arith.constant 0 : i32
      %dma_wait3A_40 = arith.constant 0 : i32
      %dma_wait3A_41 = tpu.memref_slice %arg2[%dma_wait3A_39, %dma_wait3A_40] : memref<10000x128xf32, #tpu.memory_space<hbm>> -> memref<10000x128xf32, #tpu.memory_space<hbm>>
      tpu.wait_indirect_dma semaphore(%arg19 : memref<!tpu.dma_semaphore, #tpu.memory_space<semaphore_mem>>) src(%dma_wait3A_41 : memref<10000x128xf32, #tpu.memory_space<hbm>>) dst(%arg11 : memref<128x128xf32, #tpu.memory_space<vmem>>)
      %dma_wait3A_42 = arith.constant 0 : i32
      %dma_wait3A_43 = arith.constant 0 : i32
      %dma_wait3A_44 = tpu.memref_slice %arg2[%dma_wait3A_42, %dma_wait3A_43] : memref<10000x128xf32, #tpu.memory_space<hbm>> -> memref<10000x128xf32, #tpu.memory_space<hbm>>
      tpu.wait_indirect_dma semaphore(%arg20 : memref<!tpu.dma_semaphore, #tpu.memory_space<semaphore_mem>>) src(%dma_wait3A_44 : memref<10000x128xf32, #tpu.memory_space<hbm>>) dst(%arg12 : memref<128x128xf32, #tpu.memory_space<vmem>>)
      %dma_wait3A_45 = arith.constant 0 : i32
      %dma_wait3A_46 = arith.constant 0 : i32
      %dma_wait3A_47 = tpu.memref_slice %arg3[%dma_wait3A_45, %dma_wait3A_46] : memref<10000x384xf32, #tpu.memory_space<hbm>> -> memref<10000x384xf32, #tpu.memory_space<hbm>>
      tpu.wait_indirect_dma semaphore(%arg21 : memref<!tpu.dma_semaphore, #tpu.memory_space<semaphore_mem>>) src(%dma_wait3A_47 : memref<10000x384xf32, #tpu.memory_space<hbm>>) dst(%arg13 : memref<128x384xf32, #tpu.memory_space<vmem>>)
      "tpu.region"() ({
        %run_scoped3A = tpu.sem_alloc : memref<!tpu.dma_semaphore, #tpu.memory_space<semaphore_mem>>
        %dma_start3A_48 = arith.constant 0 : i32
        %dma_start3A_49 = tpu.memref_slice %arg6[%add3A_29, %dma_start3A_48] : memref<160000x128xf32, #tpu.memory_space<hbm>> -> memref<128x128xf32, #tpu.memory_space<hbm>>
        %dma_start3A_50 = arith.constant 0 : i32
        %dma_start3A_51 = tpu.memref_slice %arg6[%add3A_29, %dma_start3A_50] : memref<160000x128xf32, #tpu.memory_space<hbm>> -> memref<128x128xf32, #tpu.memory_space<hbm>>
        tpu.enqueue_dma source(%arg11 : memref<128x128xf32, #tpu.memory_space<vmem>>) target(%dma_start3A_51 : memref<128x128xf32, #tpu.memory_space<hbm>>) target_semaphore(%run_scoped3A : memref<!tpu.dma_semaphore, #tpu.memory_space<semaphore_mem>>)
        %dma_wait3A_52 = arith.constant 0 : i32
        %dma_wait3A_53 = tpu.memref_slice %arg6[%add3A_29, %dma_wait3A_52] : memref<160000x128xf32, #tpu.memory_space<hbm>> -> memref<128x128xf32, #tpu.memory_space<hbm>>
        %dma_wait3A_54 = arith.constant 0 : i32
        %dma_wait3A_55 = tpu.memref_slice %arg6[%add3A_29, %dma_wait3A_54] : memref<160000x128xf32, #tpu.memory_space<hbm>> -> memref<128x128xf32, #tpu.memory_space<hbm>>
        tpu.wait_dma2 semaphore(%run_scoped3A : memref<!tpu.dma_semaphore, #tpu.memory_space<semaphore_mem>>) src(%arg11 : memref<128x128xf32, #tpu.memory_space<vmem>>) dst(%dma_wait3A_55 : memref<128x128xf32, #tpu.memory_space<hbm>>)
        tpu.yield
      }) : () -> ()
      "tpu.region"() ({
        %run_scoped3A = tpu.sem_alloc : memref<!tpu.dma_semaphore, #tpu.memory_space<semaphore_mem>>
        %dma_start3A_48 = arith.constant 0 : i32
        %dma_start3A_49 = tpu.memref_slice %arg7[%add3A_29, %dma_start3A_48] : memref<160000x128xf32, #tpu.memory_space<hbm>> -> memref<128x128xf32, #tpu.memory_space<hbm>>
        %dma_start3A_50 = arith.constant 0 : i32
        %dma_start3A_51 = tpu.memref_slice %arg7[%add3A_29, %dma_start3A_50] : memref<160000x128xf32, #tpu.memory_space<hbm>> -> memref<128x128xf32, #tpu.memory_space<hbm>>
        tpu.enqueue_dma source(%arg12 : memref<128x128xf32, #tpu.memory_space<vmem>>) target(%dma_start3A_51 : memref<128x128xf32, #tpu.memory_space<hbm>>) target_semaphore(%run_scoped3A : memref<!tpu.dma_semaphore, #tpu.memory_space<semaphore_mem>>)
        %dma_wait3A_52 = arith.constant 0 : i32
        %dma_wait3A_53 = tpu.memref_slice %arg7[%add3A_29, %dma_wait3A_52] : memref<160000x128xf32, #tpu.memory_space<hbm>> -> memref<128x128xf32, #tpu.memory_space<hbm>>
        %dma_wait3A_54 = arith.constant 0 : i32
        %dma_wait3A_55 = tpu.memref_slice %arg7[%add3A_29, %dma_wait3A_54] : memref<160000x128xf32, #tpu.memory_space<hbm>> -> memref<128x128xf32, #tpu.memory_space<hbm>>
        tpu.wait_dma2 semaphore(%run_scoped3A : memref<!tpu.dma_semaphore, #tpu.memory_space<semaphore_mem>>) src(%arg12 : memref<128x128xf32, #tpu.memory_space<vmem>>) dst(%dma_wait3A_55 : memref<128x128xf32, #tpu.memory_space<hbm>>)
        tpu.yield
      }) : () -> ()
      "tpu.region"() ({
        %run_scoped3A = tpu.sem_alloc : memref<!tpu.dma_semaphore, #tpu.memory_space<semaphore_mem>>
        %dma_start3A_48 = arith.constant 0 : i32
        %dma_start3A_49 = tpu.memref_slice %arg8[%add3A_29, %dma_start3A_48] : memref<160000x384xf32, #tpu.memory_space<hbm>> -> memref<128x384xf32, #tpu.memory_space<hbm>>
        %dma_start3A_50 = arith.constant 0 : i32
        %dma_start3A_51 = tpu.memref_slice %arg8[%add3A_29, %dma_start3A_50] : memref<160000x384xf32, #tpu.memory_space<hbm>> -> memref<128x384xf32, #tpu.memory_space<hbm>>
        tpu.enqueue_dma source(%arg13 : memref<128x384xf32, #tpu.memory_space<vmem>>) target(%dma_start3A_51 : memref<128x384xf32, #tpu.memory_space<hbm>>) target_semaphore(%run_scoped3A : memref<!tpu.dma_semaphore, #tpu.memory_space<semaphore_mem>>)
        %dma_wait3A_52 = arith.constant 0 : i32
        %dma_wait3A_53 = tpu.memref_slice %arg8[%add3A_29, %dma_wait3A_52] : memref<160000x384xf32, #tpu.memory_space<hbm>> -> memref<128x384xf32, #tpu.memory_space<hbm>>
        %dma_wait3A_54 = arith.constant 0 : i32
        %dma_wait3A_55 = tpu.memref_slice %arg8[%add3A_29, %dma_wait3A_54] : memref<160000x384xf32, #tpu.memory_space<hbm>> -> memref<128x384xf32, #tpu.memory_space<hbm>>
        tpu.wait_dma2 semaphore(%run_scoped3A : memref<!tpu.dma_semaphore, #tpu.memory_space<semaphore_mem>>) src(%arg13 : memref<128x384xf32, #tpu.memory_space<vmem>>) dst(%dma_wait3A_55 : memref<128x384xf32, #tpu.memory_space<hbm>>)
        tpu.yield
      }) : () -> ()
    }
    %scan3A_7 = arith.constant 39 : i32
    %add3A_8 = arith.constant 4992 : i32
    %add3A_9 = arith.addi %mul3A_2, %add3A_8 : i32
    "tpu.region"() ({
      %run_scoped3A = tpu.sem_alloc : memref<!tpu.dma_semaphore, #tpu.memory_space<semaphore_mem>>
      %dma_start3A_26 = tpu.memref_slice %arg4[%add3A_9] : memref<160000xi32, #tpu.memory_space<hbm>> -> memref<8xi32, #tpu.memory_space<hbm>>
      %dma_start3A_27 = tpu.memref_slice %arg4[%add3A_9] : memref<160000xi32, #tpu.memory_space<hbm>> -> memref<8xi32, #tpu.memory_space<hbm>>
      tpu.enqueue_dma source(%dma_start3A_27 : memref<8xi32, #tpu.memory_space<hbm>>) target(%arg14 : memref<8xi32, #tpu.memory_space<vmem>>) target_semaphore(%run_scoped3A : memref<!tpu.dma_semaphore, #tpu.memory_space<semaphore_mem>>)
      %dma_wait3A_28 = tpu.memref_slice %arg4[%add3A_9] : memref<160000xi32, #tpu.memory_space<hbm>> -> memref<8xi32, #tpu.memory_space<hbm>>
      %dma_wait3A_29 = tpu.memref_slice %arg4[%add3A_9] : memref<160000xi32, #tpu.memory_space<hbm>> -> memref<8xi32, #tpu.memory_space<hbm>>
      tpu.wait_dma2 semaphore(%run_scoped3A : memref<!tpu.dma_semaphore, #tpu.memory_space<semaphore_mem>>) src(%dma_wait3A_29 : memref<8xi32, #tpu.memory_space<hbm>>) dst(%arg14 : memref<8xi32, #tpu.memory_space<vmem>>)
      tpu.yield
    }) : () -> ()
    "tpu.region"() ({
      %run_scoped3A = tpu.sem_alloc : memref<!tpu.dma_semaphore, #tpu.memory_space<semaphore_mem>>
      %dma_start3A_26 = tpu.memref_slice %arg5[%add3A_9] : memref<160000xi32, #tpu.memory_space<hbm>> -> memref<8xi32, #tpu.memory_space<hbm>>
      %dma_start3A_27 = tpu.memref_slice %arg5[%add3A_9] : memref<160000xi32, #tpu.memory_space<hbm>> -> memref<8xi32, #tpu.memory_space<hbm>>
      tpu.enqueue_dma source(%dma_start3A_27 : memref<8xi32, #tpu.memory_space<hbm>>) target(%arg15 : memref<8xi32, #tpu.memory_space<vmem>>) target_semaphore(%run_scoped3A : memref<!tpu.dma_semaphore, #tpu.memory_space<semaphore_mem>>)
      %dma_wait3A_28 = tpu.memref_slice %arg5[%add3A_9] : memref<160000xi32, #tpu.memory_space<hbm>> -> memref<8xi32, #tpu.memory_space<hbm>>
      %dma_wait3A_29 = tpu.memref_slice %arg5[%add3A_9] : memref<160000xi32, #tpu.memory_space<hbm>> -> memref<8xi32, #tpu.memory_space<hbm>>
      tpu.wait_dma2 semaphore(%run_scoped3A : memref<!tpu.dma_semaphore, #tpu.memory_space<semaphore_mem>>) src(%dma_wait3A_29 : memref<8xi32, #tpu.memory_space<hbm>>) dst(%arg15 : memref<8xi32, #tpu.memory_space<vmem>>)
      tpu.yield
    }) : () -> ()
    %dma_start3A = arith.constant 0 : i32
    %dma_start3A_10 = arith.constant 0 : i32
    %dma_start3A_11 = tpu.memref_slice %arg2[%dma_start3A, %dma_start3A_10] : memref<10000x128xf32, #tpu.memory_space<hbm>> -> memref<10000x128xf32, #tpu.memory_space<hbm>>
    tpu.enqueue_indirect_dma source(%dma_start3A_11 : memref<10000x128xf32, #tpu.memory_space<hbm>>) target(%arg16 : memref<8x128xf32, #tpu.memory_space<vmem>>) offsets(%arg14 : memref<8xi32, #tpu.memory_space<vmem>>) semaphore(%arg19 : memref<!tpu.dma_semaphore, #tpu.memory_space<semaphore_mem>>)
    %dma_start3A_12 = arith.constant 0 : i32
    %dma_start3A_13 = arith.constant 0 : i32
    %dma_start3A_14 = tpu.memref_slice %arg2[%dma_start3A_12, %dma_start3A_13] : memref<10000x128xf32, #tpu.memory_space<hbm>> -> memref<10000x128xf32, #tpu.memory_space<hbm>>
    tpu.enqueue_indirect_dma source(%dma_start3A_14 : memref<10000x128xf32, #tpu.memory_space<hbm>>) target(%arg17 : memref<8x128xf32, #tpu.memory_space<vmem>>) offsets(%arg15 : memref<8xi32, #tpu.memory_space<vmem>>) semaphore(%arg20 : memref<!tpu.dma_semaphore, #tpu.memory_space<semaphore_mem>>)
    %dma_start3A_15 = arith.constant 0 : i32
    %dma_start3A_16 = arith.constant 0 : i32
    %dma_start3A_17 = tpu.memref_slice %arg3[%dma_start3A_15, %dma_start3A_16] : memref<10000x384xf32, #tpu.memory_space<hbm>> -> memref<10000x384xf32, #tpu.memory_space<hbm>>
    tpu.enqueue_indirect_dma source(%dma_start3A_17 : memref<10000x384xf32, #tpu.memory_space<hbm>>) target(%arg18 : memref<8x384xf32, #tpu.memory_space<vmem>>) offsets(%arg15 : memref<8xi32, #tpu.memory_space<vmem>>) semaphore(%arg21 : memref<!tpu.dma_semaphore, #tpu.memory_space<semaphore_mem>>)
    %dma_wait3A = arith.constant 0 : i32
    %dma_wait3A_18 = arith.constant 0 : i32
    %dma_wait3A_19 = tpu.memref_slice %arg2[%dma_wait3A, %dma_wait3A_18] : memref<10000x128xf32, #tpu.memory_space<hbm>> -> memref<10000x128xf32, #tpu.memory_space<hbm>>
    tpu.wait_indirect_dma semaphore(%arg19 : memref<!tpu.dma_semaphore, #tpu.memory_space<semaphore_mem>>) src(%dma_wait3A_19 : memref<10000x128xf32, #tpu.memory_space<hbm>>) dst(%arg16 : memref<8x128xf32, #tpu.memory_space<vmem>>)
    %dma_wait3A_20 = arith.constant 0 : i32
    %dma_wait3A_21 = arith.constant 0 : i32
    %dma_wait3A_22 = tpu.memref_slice %arg2[%dma_wait3A_20, %dma_wait3A_21] : memref<10000x128xf32, #tpu.memory_space<hbm>> -> memref<10000x128xf32, #tpu.memory_space<hbm>>
    tpu.wait_indirect_dma semaphore(%arg20 : memref<!tpu.dma_semaphore, #tpu.memory_space<semaphore_mem>>) src(%dma_wait3A_22 : memref<10000x128xf32, #tpu.memory_space<hbm>>) dst(%arg17 : memref<8x128xf32, #tpu.memory_space<vmem>>)
    %dma_wait3A_23 = arith.constant 0 : i32
    %dma_wait3A_24 = arith.constant 0 : i32
    %dma_wait3A_25 = tpu.memref_slice %arg3[%dma_wait3A_23, %dma_wait3A_24] : memref<10000x384xf32, #tpu.memory_space<hbm>> -> memref<10000x384xf32, #tpu.memory_space<hbm>>
    tpu.wait_indirect_dma semaphore(%arg21 : memref<!tpu.dma_semaphore, #tpu.memory_space<semaphore_mem>>) src(%dma_wait3A_25 : memref<10000x384xf32, #tpu.memory_space<hbm>>) dst(%arg18 : memref<8x384xf32, #tpu.memory_space<vmem>>)
    "tpu.region"() ({
      %run_scoped3A = tpu.sem_alloc : memref<!tpu.dma_semaphore, #tpu.memory_space<semaphore_mem>>
      %dma_start3A_26 = arith.constant 0 : i32
      %dma_start3A_27 = tpu.memref_slice %arg6[%add3A_9, %dma_start3A_26] : memref<160000x128xf32, #tpu.memory_space<hbm>> -> memref<8x128xf32, #tpu.memory_space<hbm>>
      %dma_start3A_28 = arith.constant 0 : i32
      %dma_start3A_29 = tpu.memref_slice %arg6[%add3A_9, %dma_start3A_28] : memref<160000x128xf32, #tpu.memory_space<hbm>> -> memref<8x128xf32, #tpu.memory_space<hbm>>
      tpu.enqueue_dma source(%arg16 : memref<8x128xf32, #tpu.memory_space<vmem>>) target(%dma_start3A_29 : memref<8x128xf32, #tpu.memory_space<hbm>>) target_semaphore(%run_scoped3A : memref<!tpu.dma_semaphore, #tpu.memory_space<semaphore_mem>>)
      %dma_wait3A_30 = arith.constant 0 : i32
      %dma_wait3A_31 = tpu.memref_slice %arg6[%add3A_9, %dma_wait3A_30] : memref<160000x128xf32, #tpu.memory_space<hbm>> -> memref<8x128xf32, #tpu.memory_space<hbm>>
      %dma_wait3A_32 = arith.constant 0 : i32
      %dma_wait3A_33 = tpu.memref_slice %arg6[%add3A_9, %dma_wait3A_32] : memref<160000x128xf32, #tpu.memory_space<hbm>> -> memref<8x128xf32, #tpu.memory_space<hbm>>
      tpu.wait_dma2 semaphore(%run_scoped3A : memref<!tpu.dma_semaphore, #tpu.memory_space<semaphore_mem>>) src(%arg16 : memref<8x128xf32, #tpu.memory_space<vmem>>) dst(%dma_wait3A_33 : memref<8x128xf32, #tpu.memory_space<hbm>>)
      tpu.yield
    }) : () -> ()
    "tpu.region"() ({
      %run_scoped3A = tpu.sem_alloc : memref<!tpu.dma_semaphore, #tpu.memory_space<semaphore_mem>>
      %dma_start3A_26 = arith.constant 0 : i32
      %dma_start3A_27 = tpu.memref_slice %arg7[%add3A_9, %dma_start3A_26] : memref<160000x128xf32, #tpu.memory_space<hbm>> -> memref<8x128xf32, #tpu.memory_space<hbm>>
      %dma_start3A_28 = arith.constant 0 : i32
      %dma_start3A_29 = tpu.memref_slice %arg7[%add3A_9, %dma_start3A_28] : memref<160000x128xf32, #tpu.memory_space<hbm>> -> memref<8x128xf32, #tpu.memory_space<hbm>>
      tpu.enqueue_dma source(%arg17 : memref<8x128xf32, #tpu.memory_space<vmem>>) target(%dma_start3A_29 : memref<8x128xf32, #tpu.memory_space<hbm>>) target_semaphore(%run_scoped3A : memref<!tpu.dma_semaphore, #tpu.memory_space<semaphore_mem>>)
      %dma_wait3A_30 = arith.constant 0 : i32
      %dma_wait3A_31 = tpu.memref_slice %arg7[%add3A_9, %dma_wait3A_30] : memref<160000x128xf32, #tpu.memory_space<hbm>> -> memref<8x128xf32, #tpu.memory_space<hbm>>
      %dma_wait3A_32 = arith.constant 0 : i32
      %dma_wait3A_33 = tpu.memref_slice %arg7[%add3A_9, %dma_wait3A_32] : memref<160000x128xf32, #tpu.memory_space<hbm>> -> memref<8x128xf32, #tpu.memory_space<hbm>>
      tpu.wait_dma2 semaphore(%run_scoped3A : memref<!tpu.dma_semaphore, #tpu.memory_space<semaphore_mem>>) src(%arg17 : memref<8x128xf32, #tpu.memory_space<vmem>>) dst(%dma_wait3A_33 : memref<8x128xf32, #tpu.memory_space<hbm>>)
      tpu.yield
    }) : () -> ()
    "tpu.region"() ({
      %run_scoped3A = tpu.sem_alloc : memref<!tpu.dma_semaphore, #tpu.memory_space<semaphore_mem>>
      %dma_start3A_26 = arith.constant 0 : i32
      %dma_start3A_27 = tpu.memref_slice %arg8[%add3A_9, %dma_start3A_26] : memref<160000x384xf32, #tpu.memory_space<hbm>> -> memref<8x384xf32, #tpu.memory_space<hbm>>
      %dma_start3A_28 = arith.constant 0 : i32
      %dma_start3A_29 = tpu.memref_slice %arg8[%add3A_9, %dma_start3A_28] : memref<160000x384xf32, #tpu.memory_space<hbm>> -> memref<8x384xf32, #tpu.memory_space<hbm>>
      tpu.enqueue_dma source(%arg18 : memref<8x384xf32, #tpu.memory_space<vmem>>) target(%dma_start3A_29 : memref<8x384xf32, #tpu.memory_space<hbm>>) target_semaphore(%run_scoped3A : memref<!tpu.dma_semaphore, #tpu.memory_space<semaphore_mem>>)
      %dma_wait3A_30 = arith.constant 0 : i32
      %dma_wait3A_31 = tpu.memref_slice %arg8[%add3A_9, %dma_wait3A_30] : memref<160000x384xf32, #tpu.memory_space<hbm>> -> memref<8x384xf32, #tpu.memory_space<hbm>>
      %dma_wait3A_32 = arith.constant 0 : i32
      %dma_wait3A_33 = tpu.memref_slice %arg8[%add3A_9, %dma_wait3A_32] : memref<160000x384xf32, #tpu.memory_space<hbm>> -> memref<8x384xf32, #tpu.memory_space<hbm>>
      tpu.wait_dma2 semaphore(%run_scoped3A : memref<!tpu.dma_semaphore, #tpu.memory_space<semaphore_mem>>) src(%arg18 : memref<8x384xf32, #tpu.memory_space<vmem>>) dst(%dma_wait3A_33 : memref<8x384xf32, #tpu.memory_space<hbm>>)
      tpu.yield
    }) : () -> ()
    return
  }
}

#map = affine_map<(d0, d1) -> (0, 0)>
#map1 = affine_map<(d0, d1) -> (0)>
module attributes {stable_mosaic.version = 14 : i64} {
  func.func @_sc_scatter(%arg0: i32, %arg1: i32, %arg2: memref<160000x512xf32, #tpu.memory_space<hbm>>, %arg3: memref<160000xi32, #tpu.memory_space<hbm>>, %arg4: memref<10000x128xf32, #tpu.memory_space<hbm>>, %arg5: memref<10000x384xf32, #tpu.memory_space<hbm>>, %arg6: memref<128xi32, #tpu.memory_space<vmem>>, %arg7: memref<128x128xf32, #tpu.memory_space<vmem>>, %arg8: memref<16xi32, #tpu.memory_space<vmem>>, %arg9: memref<16x128xf32, #tpu.memory_space<vmem>>, %arg10: memref<128x128xf32, #tpu.memory_space<vmem>>, %arg11: memref<10000x128xf32, #tpu.memory_space<vmem_shared>>) attributes {dimension_semantics = [#tpu.dimension_semantics<core_parallel>, #tpu.dimension_semantics<subcore_parallel>], iteration_bounds = array<i64: 2, 16>, scalar_prefetch = 0 : i64, scratch_operands = 6 : i64, tpu.core_type = #tpu.core_type<sc_vector_subcore>, window_params = [{transform_indices = #map}, {transform_indices = #map1}, {transform_indices = #map}, {transform_indices = #map}]} {
    %mul3A = arith.constant 10000 : i32
    %mul3A_0 = arith.muli %arg1, %mul3A : i32
    %broadcast_in_dim3A = arith.constant 0.000000e+00 : f32
    %broadcast_in_dim3A_1 = vector.broadcast %broadcast_in_dim3A : f32 to vector<16xf32>
    %scan3A = arith.constant 0 : i32
    %scan3A_2 = arith.constant 0 : i32
    %scan3A_3 = arith.constant 128 : i32
    %scan3A_4 = arith.addi %scan3A_2, %scan3A_3 : i32
    %scan3A_5 = arith.constant 1 : i32
    scf.for %scan3A_91 = %scan3A_2 to %scan3A_4 step %scan3A_5  : i32 {
      %swap3A = arith.index_cast %scan3A_91 : i32 to index
      %swap3A_92 = arith.constant 0 : index
      %swap3A_93 = tpu.vector_load %arg10[%swap3A, %swap3A_92] {strides = array<i32>} : memref<128x128xf32, #tpu.memory_space<vmem>>, vector<1x16xf32>,
      %swap3A_94 = vector.shape_cast %swap3A_93 : vector<1x16xf32> to vector<16xf32>
      %swap3A_95 = vector.shape_cast %broadcast_in_dim3A_1 : vector<16xf32> to vector<1x16xf32>
      tpu.vector_store %arg10[%swap3A, %swap3A_92], %swap3A_95 {strides = array<i32>} : memref<128x128xf32, #tpu.memory_space<vmem>>, vector<1x16xf32>,
      %swap3A_96 = arith.index_cast %scan3A_91 : i32 to index
      %swap3A_97 = arith.constant 16 : index
      %swap3A_98 = tpu.vector_load %arg10[%swap3A_96, %swap3A_97] {strides = array<i32>} : memref<128x128xf32, #tpu.memory_space<vmem>>, vector<1x16xf32>,
      %swap3A_99 = vector.shape_cast %swap3A_98 : vector<1x16xf32> to vector<16xf32>
      %swap3A_100 = vector.shape_cast %broadcast_in_dim3A_1 : vector<16xf32> to vector<1x16xf32>
      tpu.vector_store %arg10[%swap3A_96, %swap3A_97], %swap3A_100 {strides = array<i32>} : memref<128x128xf32, #tpu.memory_space<vmem>>, vector<1x16xf32>,
      %swap3A_101 = arith.index_cast %scan3A_91 : i32 to index
      %swap3A_102 = arith.constant 32 : index
      %swap3A_103 = tpu.vector_load %arg10[%swap3A_101, %swap3A_102] {strides = array<i32>} : memref<128x128xf32, #tpu.memory_space<vmem>>, vector<1x16xf32>,
      %swap3A_104 = vector.shape_cast %swap3A_103 : vector<1x16xf32> to vector<16xf32>
      %swap3A_105 = vector.shape_cast %broadcast_in_dim3A_1 : vector<16xf32> to vector<1x16xf32>
      tpu.vector_store %arg10[%swap3A_101, %swap3A_102], %swap3A_105 {strides = array<i32>} : memref<128x128xf32, #tpu.memory_space<vmem>>, vector<1x16xf32>,
      %swap3A_106 = arith.index_cast %scan3A_91 : i32 to index
      %swap3A_107 = arith.constant 48 : index
      %swap3A_108 = tpu.vector_load %arg10[%swap3A_106, %swap3A_107] {strides = array<i32>} : memref<128x128xf32, #tpu.memory_space<vmem>>, vector<1x16xf32>,
      %swap3A_109 = vector.shape_cast %swap3A_108 : vector<1x16xf32> to vector<16xf32>
      %swap3A_110 = vector.shape_cast %broadcast_in_dim3A_1 : vector<16xf32> to vector<1x16xf32>
      tpu.vector_store %arg10[%swap3A_106, %swap3A_107], %swap3A_110 {strides = array<i32>} : memref<128x128xf32, #tpu.memory_space<vmem>>, vector<1x16xf32>,
      %swap3A_111 = arith.index_cast %scan3A_91 : i32 to index
      %swap3A_112 = arith.constant 64 : index
      %swap3A_113 = tpu.vector_load %arg10[%swap3A_111, %swap3A_112] {strides = array<i32>} : memref<128x128xf32, #tpu.memory_space<vmem>>, vector<1x16xf32>,
      %swap3A_114 = vector.shape_cast %swap3A_113 : vector<1x16xf32> to vector<16xf32>
      %swap3A_115 = vector.shape_cast %broadcast_in_dim3A_1 : vector<16xf32> to vector<1x16xf32>
      tpu.vector_store %arg10[%swap3A_111, %swap3A_112], %swap3A_115 {strides = array<i32>} : memref<128x128xf32, #tpu.memory_space<vmem>>, vector<1x16xf32>,
      %swap3A_116 = arith.index_cast %scan3A_91 : i32 to index
      %swap3A_117 = arith.constant 80 : index
      %swap3A_118 = tpu.vector_load %arg10[%swap3A_116, %swap3A_117] {strides = array<i32>} : memref<128x128xf32, #tpu.memory_space<vmem>>, vector<1x16xf32>,
      %swap3A_119 = vector.shape_cast %swap3A_118 : vector<1x16xf32> to vector<16xf32>
      %swap3A_120 = vector.shape_cast %broadcast_in_dim3A_1 : vector<16xf32> to vector<1x16xf32>
      tpu.vector_store %arg10[%swap3A_116, %swap3A_117], %swap3A_120 {strides = array<i32>} : memref<128x128xf32, #tpu.memory_space<vmem>>, vector<1x16xf32>,
      %swap3A_121 = arith.index_cast %scan3A_91 : i32 to index
      %swap3A_122 = arith.constant 96 : index
      %swap3A_123 = tpu.vector_load %arg10[%swap3A_121, %swap3A_122] {strides = array<i32>} : memref<128x128xf32, #tpu.memory_space<vmem>>, vector<1x16xf32>,
      %swap3A_124 = vector.shape_cast %swap3A_123 : vector<1x16xf32> to vector<16xf32>
      %swap3A_125 = vector.shape_cast %broadcast_in_dim3A_1 : vector<16xf32> to vector<1x16xf32>
      tpu.vector_store %arg10[%swap3A_121, %swap3A_122], %swap3A_125 {strides = array<i32>} : memref<128x128xf32, #tpu.memory_space<vmem>>, vector<1x16xf32>,
      %swap3A_126 = arith.index_cast %scan3A_91 : i32 to index
      %swap3A_127 = arith.constant 112 : index
      %swap3A_128 = tpu.vector_load %arg10[%swap3A_126, %swap3A_127] {strides = array<i32>} : memref<128x128xf32, #tpu.memory_space<vmem>>, vector<1x16xf32>,
      %swap3A_129 = vector.shape_cast %swap3A_128 : vector<1x16xf32> to vector<16xf32>
      %swap3A_130 = vector.shape_cast %broadcast_in_dim3A_1 : vector<16xf32> to vector<1x16xf32>
      tpu.vector_store %arg10[%swap3A_126, %swap3A_127], %swap3A_130 {strides = array<i32>} : memref<128x128xf32, #tpu.memory_space<vmem>>, vector<1x16xf32>,
    }
    %scan3A_6 = arith.constant 128 : i32
    %mul3A_7 = arith.constant 2 : i32
    %mul3A_8 = arith.muli %arg0, %mul3A_7 : i32
    %add3A = arith.constant 0 : i32
    %add3A_9 = arith.addi %mul3A_8, %add3A : i32
    %mul3A_10 = arith.constant 128 : i32
    %mul3A_11 = arith.muli %add3A_9, %mul3A_10 : i32
    %mul3A_12 = arith.constant 624 : i32
    %mul3A_13 = arith.muli %arg1, %mul3A_12 : i32
    %add3A_14 = arith.constant 0 : i32
    %add3A_15 = arith.addi %mul3A_13, %add3A_14 : i32
    "tpu.region"() ({
      %run_scoped3A = tpu.sem_alloc : memref<!tpu.dma_semaphore, #tpu.memory_space<semaphore_mem>>
      %dma_start3A = arith.constant 0 : i32
      %dma_start3A_91 = tpu.memref_slice %arg11[%add3A_15, %dma_start3A] : memref<10000x128xf32, #tpu.memory_space<vmem_shared>> -> memref<128x128xf32, #tpu.memory_space<vmem_shared>>
      %dma_start3A_92 = arith.constant 0 : i32
      %dma_start3A_93 = tpu.memref_slice %arg11[%add3A_15, %dma_start3A_92] : memref<10000x128xf32, #tpu.memory_space<vmem_shared>> -> memref<128x128xf32, #tpu.memory_space<vmem_shared>>
      tpu.enqueue_dma source(%arg10 : memref<128x128xf32, #tpu.memory_space<vmem>>) target(%dma_start3A_93 : memref<128x128xf32, #tpu.memory_space<vmem_shared>>) target_semaphore(%run_scoped3A : memref<!tpu.dma_semaphore, #tpu.memory_space<semaphore_mem>>)
      %dma_wait3A = arith.constant 0 : i32
      %dma_wait3A_94 = tpu.memref_slice %arg11[%add3A_15, %dma_wait3A] : memref<10000x128xf32, #tpu.memory_space<vmem_shared>> -> memref<128x128xf32, #tpu.memory_space<vmem_shared>>
      %dma_wait3A_95 = arith.constant 0 : i32
      %dma_wait3A_96 = tpu.memref_slice %arg11[%add3A_15, %dma_wait3A_95] : memref<10000x128xf32, #tpu.memory_space<vmem_shared>> -> memref<128x128xf32, #tpu.memory_space<vmem_shared>>
      tpu.wait_dma2 semaphore(%run_scoped3A : memref<!tpu.dma_semaphore, #tpu.memory_space<semaphore_mem>>) src(%arg10 : memref<128x128xf32, #tpu.memory_space<vmem>>) dst(%dma_wait3A_96 : memref<128x128xf32, #tpu.memory_space<vmem_shared>>)
      tpu.yield
    }) : () -> ()
    %add3A_16 = arith.constant 128 : i32
    %add3A_17 = arith.addi %mul3A_13, %add3A_16 : i32
    "tpu.region"() ({
      %run_scoped3A = tpu.sem_alloc : memref<!tpu.dma_semaphore, #tpu.memory_space<semaphore_mem>>
      %dma_start3A = arith.constant 0 : i32
      %dma_start3A_91 = tpu.memref_slice %arg11[%add3A_17, %dma_start3A] : memref<10000x128xf32, #tpu.memory_space<vmem_shared>> -> memref<128x128xf32, #tpu.memory_space<vmem_shared>>
      %dma_start3A_92 = arith.constant 0 : i32
      %dma_start3A_93 = tpu.memref_slice %arg11[%add3A_17, %dma_start3A_92] : memref<10000x128xf32, #tpu.memory_space<vmem_shared>> -> memref<128x128xf32, #tpu.memory_space<vmem_shared>>
      tpu.enqueue_dma source(%arg10 : memref<128x128xf32, #tpu.memory_space<vmem>>) target(%dma_start3A_93 : memref<128x128xf32, #tpu.memory_space<vmem_shared>>) target_semaphore(%run_scoped3A : memref<!tpu.dma_semaphore, #tpu.memory_space<semaphore_mem>>)
      %dma_wait3A = arith.constant 0 : i32
      %dma_wait3A_94 = tpu.memref_slice %arg11[%add3A_17, %dma_wait3A] : memref<10000x128xf32, #tpu.memory_space<vmem_shared>> -> memref<128x128xf32, #tpu.memory_space<vmem_shared>>
      %dma_wait3A_95 = arith.constant 0 : i32
      %dma_wait3A_96 = tpu.memref_slice %arg11[%add3A_17, %dma_wait3A_95] : memref<10000x128xf32, #tpu.memory_space<vmem_shared>> -> memref<128x128xf32, #tpu.memory_space<vmem_shared>>
      tpu.wait_dma2 semaphore(%run_scoped3A : memref<!tpu.dma_semaphore, #tpu.memory_space<semaphore_mem>>) src(%arg10 : memref<128x128xf32, #tpu.memory_space<vmem>>) dst(%dma_wait3A_96 : memref<128x128xf32, #tpu.memory_space<vmem_shared>>)
      tpu.yield
    }) : () -> ()
    %add3A_18 = arith.constant 256 : i32
    %add3A_19 = arith.addi %mul3A_13, %add3A_18 : i32
    "tpu.region"() ({
      %run_scoped3A = tpu.sem_alloc : memref<!tpu.dma_semaphore, #tpu.memory_space<semaphore_mem>>
      %dma_start3A = arith.constant 0 : i32
      %dma_start3A_91 = tpu.memref_slice %arg11[%add3A_19, %dma_start3A] : memref<10000x128xf32, #tpu.memory_space<vmem_shared>> -> memref<128x128xf32, #tpu.memory_space<vmem_shared>>
      %dma_start3A_92 = arith.constant 0 : i32
      %dma_start3A_93 = tpu.memref_slice %arg11[%add3A_19, %dma_start3A_92] : memref<10000x128xf32, #tpu.memory_space<vmem_shared>> -> memref<128x128xf32, #tpu.memory_space<vmem_shared>>
      tpu.enqueue_dma source(%arg10 : memref<128x128xf32, #tpu.memory_space<vmem>>) target(%dma_start3A_93 : memref<128x128xf32, #tpu.memory_space<vmem_shared>>) target_semaphore(%run_scoped3A : memref<!tpu.dma_semaphore, #tpu.memory_space<semaphore_mem>>)
      %dma_wait3A = arith.constant 0 : i32
      %dma_wait3A_94 = tpu.memref_slice %arg11[%add3A_19, %dma_wait3A] : memref<10000x128xf32, #tpu.memory_space<vmem_shared>> -> memref<128x128xf32, #tpu.memory_space<vmem_shared>>
      %dma_wait3A_95 = arith.constant 0 : i32
      %dma_wait3A_96 = tpu.memref_slice %arg11[%add3A_19, %dma_wait3A_95] : memref<10000x128xf32, #tpu.memory_space<vmem_shared>> -> memref<128x128xf32, #tpu.memory_space<vmem_shared>>
      tpu.wait_dma2 semaphore(%run_scoped3A : memref<!tpu.dma_semaphore, #tpu.memory_space<semaphore_mem>>) src(%arg10 : memref<128x128xf32, #tpu.memory_space<vmem>>) dst(%dma_wait3A_96 : memref<128x128xf32, #tpu.memory_space<vmem_shared>>)
      tpu.yield
    }) : () -> ()
    %add3A_20 = arith.constant 384 : i32
    %add3A_21 = arith.addi %mul3A_13, %add3A_20 : i32
    "tpu.region"() ({
      %run_scoped3A = tpu.sem_alloc : memref<!tpu.dma_semaphore, #tpu.memory_space<semaphore_mem>>
      %dma_start3A = arith.constant 0 : i32
      %dma_start3A_91 = tpu.memref_slice %arg11[%add3A_21, %dma_start3A] : memref<10000x128xf32, #tpu.memory_space<vmem_shared>> -> memref<128x128xf32, #tpu.memory_space<vmem_shared>>
      %dma_start3A_92 = arith.constant 0 : i32
      %dma_start3A_93 = tpu.memref_slice %arg11[%add3A_21, %dma_start3A_92] : memref<10000x128xf32, #tpu.memory_space<vmem_shared>> -> memref<128x128xf32, #tpu.memory_space<vmem_shared>>
      tpu.enqueue_dma source(%arg10 : memref<128x128xf32, #tpu.memory_space<vmem>>) target(%dma_start3A_93 : memref<128x128xf32, #tpu.memory_space<vmem_shared>>) target_semaphore(%run_scoped3A : memref<!tpu.dma_semaphore, #tpu.memory_space<semaphore_mem>>)
      %dma_wait3A = arith.constant 0 : i32
      %dma_wait3A_94 = tpu.memref_slice %arg11[%add3A_21, %dma_wait3A] : memref<10000x128xf32, #tpu.memory_space<vmem_shared>> -> memref<128x128xf32, #tpu.memory_space<vmem_shared>>
      %dma_wait3A_95 = arith.constant 0 : i32
      %dma_wait3A_96 = tpu.memref_slice %arg11[%add3A_21, %dma_wait3A_95] : memref<10000x128xf32, #tpu.memory_space<vmem_shared>> -> memref<128x128xf32, #tpu.memory_space<vmem_shared>>
      tpu.wait_dma2 semaphore(%run_scoped3A : memref<!tpu.dma_semaphore, #tpu.memory_space<semaphore_mem>>) src(%arg10 : memref<128x128xf32, #tpu.memory_space<vmem>>) dst(%dma_wait3A_96 : memref<128x128xf32, #tpu.memory_space<vmem_shared>>)
      tpu.yield
    }) : () -> ()
    %add3A_22 = arith.constant 512 : i32
    %add3A_23 = arith.addi %mul3A_13, %add3A_22 : i32
    "tpu.region"() ({
      %run_scoped3A = tpu.sem_alloc : memref<!tpu.dma_semaphore, #tpu.memory_space<semaphore_mem>>
      %dma_start3A = arith.constant 0 : i32
      %dma_start3A_91 = arith.constant 0 : i32
      %dma_start3A_92 = tpu.memref_slice %arg10[%dma_start3A, %dma_start3A_91] : memref<128x128xf32, #tpu.memory_space<vmem>> -> memref<112x128xf32, #tpu.memory_space<vmem>>
      %dma_start3A_93 = arith.constant 0 : i32
      %dma_start3A_94 = tpu.memref_slice %arg11[%add3A_23, %dma_start3A_93] : memref<10000x128xf32, #tpu.memory_space<vmem_shared>> -> memref<112x128xf32, #tpu.memory_space<vmem_shared>>
      %dma_start3A_95 = arith.constant 0 : i32
      %dma_start3A_96 = tpu.memref_slice %arg11[%add3A_23, %dma_start3A_95] : memref<10000x128xf32, #tpu.memory_space<vmem_shared>> -> memref<112x128xf32, #tpu.memory_space<vmem_shared>>
      %dma_start3A_97 = arith.constant 0 : i32
      %dma_start3A_98 = arith.constant 0 : i32
      %dma_start3A_99 = tpu.memref_slice %arg10[%dma_start3A_97, %dma_start3A_98] : memref<128x128xf32, #tpu.memory_space<vmem>> -> memref<112x128xf32, #tpu.memory_space<vmem>>
      tpu.enqueue_dma source(%dma_start3A_99 : memref<112x128xf32, #tpu.memory_space<vmem>>) target(%dma_start3A_96 : memref<112x128xf32, #tpu.memory_space<vmem_shared>>) target_semaphore(%run_scoped3A : memref<!tpu.dma_semaphore, #tpu.memory_space<semaphore_mem>>)
      %dma_wait3A = arith.constant 0 : i32
      %dma_wait3A_100 = arith.constant 0 : i32
      %dma_wait3A_101 = tpu.memref_slice %arg10[%dma_wait3A, %dma_wait3A_100] : memref<128x128xf32, #tpu.memory_space<vmem>> -> memref<112x128xf32, #tpu.memory_space<vmem>>
      %dma_wait3A_102 = arith.constant 0 : i32
      %dma_wait3A_103 = tpu.memref_slice %arg11[%add3A_23, %dma_wait3A_102] : memref<10000x128xf32, #tpu.memory_space<vmem_shared>> -> memref<112x128xf32, #tpu.memory_space<vmem_shared>>
      %dma_wait3A_104 = arith.constant 0 : i32
      %dma_wait3A_105 = tpu.memref_slice %arg11[%add3A_23, %dma_wait3A_104] : memref<10000x128xf32, #tpu.memory_space<vmem_shared>> -> memref<112x128xf32, #tpu.memory_space<vmem_shared>>
      %dma_wait3A_106 = arith.constant 0 : i32
      %dma_wait3A_107 = arith.constant 0 : i32
      %dma_wait3A_108 = tpu.memref_slice %arg10[%dma_wait3A_106, %dma_wait3A_107] : memref<128x128xf32, #tpu.memory_space<vmem>> -> memref<112x128xf32, #tpu.memory_space<vmem>>
      tpu.wait_dma2 semaphore(%run_scoped3A : memref<!tpu.dma_semaphore, #tpu.memory_space<semaphore_mem>>) src(%dma_wait3A_108 : memref<112x128xf32, #tpu.memory_space<vmem>>) dst(%dma_wait3A_105 : memref<112x128xf32, #tpu.memory_space<vmem_shared>>)
      tpu.yield
    }) : () -> ()
    %eq3A = arith.constant 15 : i32
    %eq3A_24 = arith.cmpi eq, %arg1, %eq3A : i32
    %convert_element_type3A = arith.extui %eq3A_24 : i1 to i32
    %cond3A = arith.constant 0 : i32
    %cond3A_25 = arith.cmpi ne, %convert_element_type3A, %cond3A : i32
    scf.if %cond3A_25 {
      "tpu.region"() ({
        %run_scoped3A = tpu.sem_alloc : memref<!tpu.dma_semaphore, #tpu.memory_space<semaphore_mem>>
        %dma_start3A = arith.constant 0 : i32
        %dma_start3A_91 = arith.constant 0 : i32
        %dma_start3A_92 = tpu.memref_slice %arg10[%dma_start3A, %dma_start3A_91] : memref<128x128xf32, #tpu.memory_space<vmem>> -> memref<16x128xf32, #tpu.memory_space<vmem>>
        %dma_start3A_93 = arith.constant 9984 : i32
        %dma_start3A_94 = arith.constant 0 : i32
        %dma_start3A_95 = tpu.memref_slice %arg11[%dma_start3A_93, %dma_start3A_94] : memref<10000x128xf32, #tpu.memory_space<vmem_shared>> -> memref<16x128xf32, #tpu.memory_space<vmem_shared>>
        %dma_start3A_96 = arith.constant 9984 : i32
        %dma_start3A_97 = arith.constant 0 : i32
        %dma_start3A_98 = tpu.memref_slice %arg11[%dma_start3A_96, %dma_start3A_97] : memref<10000x128xf32, #tpu.memory_space<vmem_shared>> -> memref<16x128xf32, #tpu.memory_space<vmem_shared>>
        %dma_start3A_99 = arith.constant 0 : i32
        %dma_start3A_100 = arith.constant 0 : i32
        %dma_start3A_101 = tpu.memref_slice %arg10[%dma_start3A_99, %dma_start3A_100] : memref<128x128xf32, #tpu.memory_space<vmem>> -> memref<16x128xf32, #tpu.memory_space<vmem>>
        tpu.enqueue_dma source(%dma_start3A_101 : memref<16x128xf32, #tpu.memory_space<vmem>>) target(%dma_start3A_98 : memref<16x128xf32, #tpu.memory_space<vmem_shared>>) target_semaphore(%run_scoped3A : memref<!tpu.dma_semaphore, #tpu.memory_space<semaphore_mem>>)
        %dma_wait3A = arith.constant 0 : i32
        %dma_wait3A_102 = arith.constant 0 : i32
        %dma_wait3A_103 = tpu.memref_slice %arg10[%dma_wait3A, %dma_wait3A_102] : memref<128x128xf32, #tpu.memory_space<vmem>> -> memref<16x128xf32, #tpu.memory_space<vmem>>
        %dma_wait3A_104 = arith.constant 9984 : i32
        %dma_wait3A_105 = arith.constant 0 : i32
        %dma_wait3A_106 = tpu.memref_slice %arg11[%dma_wait3A_104, %dma_wait3A_105] : memref<10000x128xf32, #tpu.memory_space<vmem_shared>> -> memref<16x128xf32, #tpu.memory_space<vmem_shared>>
        %dma_wait3A_107 = arith.constant 9984 : i32
        %dma_wait3A_108 = arith.constant 0 : i32
        %dma_wait3A_109 = tpu.memref_slice %arg11[%dma_wait3A_107, %dma_wait3A_108] : memref<10000x128xf32, #tpu.memory_space<vmem_shared>> -> memref<16x128xf32, #tpu.memory_space<vmem_shared>>
        %dma_wait3A_110 = arith.constant 0 : i32
        %dma_wait3A_111 = arith.constant 0 : i32
        %dma_wait3A_112 = tpu.memref_slice %arg10[%dma_wait3A_110, %dma_wait3A_111] : memref<128x128xf32, #tpu.memory_space<vmem>> -> memref<16x128xf32, #tpu.memory_space<vmem>>
        tpu.wait_dma2 semaphore(%run_scoped3A : memref<!tpu.dma_semaphore, #tpu.memory_space<semaphore_mem>>) src(%dma_wait3A_112 : memref<16x128xf32, #tpu.memory_space<vmem>>) dst(%dma_wait3A_109 : memref<16x128xf32, #tpu.memory_space<vmem_shared>>)
        tpu.yield
      }) : () -> ()
    } else {
    }
    %barrier3A = arith.constant 0 : index
    tpu.barrier barrier_id(%barrier3A)
    %scan3A_26 = arith.constant 0 : i32
    %scan3A_27 = arith.constant 0 : i32
    %scan3A_28 = arith.constant 78 : i32
    %scan3A_29 = arith.addi %scan3A_27, %scan3A_28 : i32
    %scan3A_30 = arith.constant 1 : i32
    scf.for %scan3A_91 = %scan3A_27 to %scan3A_29 step %scan3A_30  : i32 {
      %mul3A_92 = arith.constant 128 : i32
      %mul3A_93 = arith.muli %scan3A_91, %mul3A_92 : i32
      %add3A_94 = arith.addi %mul3A_0, %mul3A_93 : i32
      "tpu.region"() ({
        %run_scoped3A = tpu.sem_alloc : memref<!tpu.dma_semaphore, #tpu.memory_space<semaphore_mem>>
        %dma_start3A = tpu.memref_slice %arg3[%add3A_94] : memref<160000xi32, #tpu.memory_space<hbm>> -> memref<128xi32, #tpu.memory_space<hbm>>
        %dma_start3A_95 = tpu.memref_slice %arg3[%add3A_94] : memref<160000xi32, #tpu.memory_space<hbm>> -> memref<128xi32, #tpu.memory_space<hbm>>
        tpu.enqueue_dma source(%dma_start3A_95 : memref<128xi32, #tpu.memory_space<hbm>>) target(%arg6 : memref<128xi32, #tpu.memory_space<vmem>>) target_semaphore(%run_scoped3A : memref<!tpu.dma_semaphore, #tpu.memory_space<semaphore_mem>>)
        %dma_wait3A = tpu.memref_slice %arg3[%add3A_94] : memref<160000xi32, #tpu.memory_space<hbm>> -> memref<128xi32, #tpu.memory_space<hbm>>
        %dma_wait3A_96 = tpu.memref_slice %arg3[%add3A_94] : memref<160000xi32, #tpu.memory_space<hbm>> -> memref<128xi32, #tpu.memory_space<hbm>>
        tpu.wait_dma2 semaphore(%run_scoped3A : memref<!tpu.dma_semaphore, #tpu.memory_space<semaphore_mem>>) src(%dma_wait3A_96 : memref<128xi32, #tpu.memory_space<hbm>>) dst(%arg6 : memref<128xi32, #tpu.memory_space<vmem>>)
        tpu.yield
      }) : () -> ()
      "tpu.region"() ({
        %run_scoped3A = tpu.sem_alloc : memref<!tpu.dma_semaphore, #tpu.memory_space<semaphore_mem>>
        %dma_start3A = tpu.memref_slice %arg2[%add3A_94, %mul3A_11] : memref<160000x512xf32, #tpu.memory_space<hbm>> -> memref<128x128xf32, #tpu.memory_space<hbm>>
        %dma_start3A_95 = tpu.memref_slice %arg2[%add3A_94, %mul3A_11] : memref<160000x512xf32, #tpu.memory_space<hbm>> -> memref<128x128xf32, #tpu.memory_space<hbm>>
        tpu.enqueue_dma source(%dma_start3A_95 : memref<128x128xf32, #tpu.memory_space<hbm>>) target(%arg7 : memref<128x128xf32, #tpu.memory_space<vmem>>) target_semaphore(%run_scoped3A : memref<!tpu.dma_semaphore, #tpu.memory_space<semaphore_mem>>)
        %dma_wait3A = tpu.memref_slice %arg2[%add3A_94, %mul3A_11] : memref<160000x512xf32, #tpu.memory_space<hbm>> -> memref<128x128xf32, #tpu.memory_space<hbm>>
        %dma_wait3A_96 = tpu.memref_slice %arg2[%add3A_94, %mul3A_11] : memref<160000x512xf32, #tpu.memory_space<hbm>> -> memref<128x128xf32, #tpu.memory_space<hbm>>
        tpu.wait_dma2 semaphore(%run_scoped3A : memref<!tpu.dma_semaphore, #tpu.memory_space<semaphore_mem>>) src(%dma_wait3A_96 : memref<128x128xf32, #tpu.memory_space<hbm>>) dst(%arg7 : memref<128x128xf32, #tpu.memory_space<vmem>>)
        tpu.yield
      }) : () -> ()
      "tpu.region"() ({
        %run_scoped3A = tpu.sem_alloc : memref<!tpu.dma_semaphore, #tpu.memory_space<semaphore_mem>>
        %dma_start3A = arith.constant 0 : i32
        %dma_start3A_95 = arith.constant 0 : i32
        %dma_start3A_96 = tpu.memref_slice %arg11[%dma_start3A, %dma_start3A_95] : memref<10000x128xf32, #tpu.memory_space<vmem_shared>> -> memref<10000x128xf32, #tpu.memory_space<vmem_shared>>
        tpu.enqueue_indirect_dma source(%arg7 : memref<128x128xf32, #tpu.memory_space<vmem>>) target(%dma_start3A_96 : memref<10000x128xf32, #tpu.memory_space<vmem_shared>>) offsets(%arg6 : memref<128xi32, #tpu.memory_space<vmem>>) semaphore(%run_scoped3A : memref<!tpu.dma_semaphore, #tpu.memory_space<semaphore_mem>>) {add = true}
        %dma_wait3A = arith.constant 0 : i32
        %dma_wait3A_97 = arith.constant 0 : i32
        %dma_wait3A_98 = tpu.memref_slice %arg11[%dma_wait3A, %dma_wait3A_97] : memref<10000x128xf32, #tpu.memory_space<vmem_shared>> -> memref<10000x128xf32, #tpu.memory_space<vmem_shared>>
        tpu.wait_indirect_dma semaphore(%run_scoped3A : memref<!tpu.dma_semaphore, #tpu.memory_space<semaphore_mem>>) src(%arg7 : memref<128x128xf32, #tpu.memory_space<vmem>>) dst(%dma_wait3A_98 : memref<10000x128xf32, #tpu.memory_space<vmem_shared>>)
        tpu.yield
      }) : () -> ()
    }
    %scan3A_31 = arith.constant 78 : i32
    %add3A_32 = arith.constant 9984 : i32
    %add3A_33 = arith.addi %mul3A_0, %add3A_32 : i32
    "tpu.region"() ({
      %run_scoped3A = tpu.sem_alloc : memref<!tpu.dma_semaphore, #tpu.memory_space<semaphore_mem>>
      %dma_start3A = tpu.memref_slice %arg3[%add3A_33] : memref<160000xi32, #tpu.memory_space<hbm>> -> memref<16xi32, #tpu.memory_space<hbm>>
      %dma_start3A_91 = tpu.memref_slice %arg3[%add3A_33] : memref<160000xi32, #tpu.memory_space<hbm>> -> memref<16xi32, #tpu.memory_space<hbm>>
      tpu.enqueue_dma source(%dma_start3A_91 : memref<16xi32, #tpu.memory_space<hbm>>) target(%arg8 : memref<16xi32, #tpu.memory_space<vmem>>) target_semaphore(%run_scoped3A : memref<!tpu.dma_semaphore, #tpu.memory_space<semaphore_mem>>)
      %dma_wait3A = tpu.memref_slice %arg3[%add3A_33] : memref<160000xi32, #tpu.memory_space<hbm>> -> memref<16xi32, #tpu.memory_space<hbm>>
      %dma_wait3A_92 = tpu.memref_slice %arg3[%add3A_33] : memref<160000xi32, #tpu.memory_space<hbm>> -> memref<16xi32, #tpu.memory_space<hbm>>
      tpu.wait_dma2 semaphore(%run_scoped3A : memref<!tpu.dma_semaphore, #tpu.memory_space<semaphore_mem>>) src(%dma_wait3A_92 : memref<16xi32, #tpu.memory_space<hbm>>) dst(%arg8 : memref<16xi32, #tpu.memory_space<vmem>>)
      tpu.yield
    }) : () -> ()
    "tpu.region"() ({
      %run_scoped3A = tpu.sem_alloc : memref<!tpu.dma_semaphore, #tpu.memory_space<semaphore_mem>>
      %dma_start3A = tpu.memref_slice %arg2[%add3A_33, %mul3A_11] : memref<160000x512xf32, #tpu.memory_space<hbm>> -> memref<16x128xf32, #tpu.memory_space<hbm>>
      %dma_start3A_91 = tpu.memref_slice %arg2[%add3A_33, %mul3A_11] : memref<160000x512xf32, #tpu.memory_space<hbm>> -> memref<16x128xf32, #tpu.memory_space<hbm>>
      tpu.enqueue_dma source(%dma_start3A_91 : memref<16x128xf32, #tpu.memory_space<hbm>>) target(%arg9 : memref<16x128xf32, #tpu.memory_space<vmem>>) target_semaphore(%run_scoped3A : memref<!tpu.dma_semaphore, #tpu.memory_space<semaphore_mem>>)
      %dma_wait3A = tpu.memref_slice %arg2[%add3A_33, %mul3A_11] : memref<160000x512xf32, #tpu.memory_space<hbm>> -> memref<16x128xf32, #tpu.memory_space<hbm>>
      %dma_wait3A_92 = tpu.memref_slice %arg2[%add3A_33, %mul3A_11] : memref<160000x512xf32, #tpu.memory_space<hbm>> -> memref<16x128xf32, #tpu.memory_space<hbm>>
      tpu.wait_dma2 semaphore(%run_scoped3A : memref<!tpu.dma_semaphore, #tpu.memory_space<semaphore_mem>>) src(%dma_wait3A_92 : memref<16x128xf32, #tpu.memory_space<hbm>>) dst(%arg9 : memref<16x128xf32, #tpu.memory_space<vmem>>)
      tpu.yield
    }) : () -> ()
    "tpu.region"() ({
      %run_scoped3A = tpu.sem_alloc : memref<!tpu.dma_semaphore, #tpu.memory_space<semaphore_mem>>
      %dma_start3A = arith.constant 0 : i32
      %dma_start3A_91 = arith.constant 0 : i32
      %dma_start3A_92 = tpu.memref_slice %arg11[%dma_start3A, %dma_start3A_91] : memref<10000x128xf32, #tpu.memory_space<vmem_shared>> -> memref<10000x128xf32, #tpu.memory_space<vmem_shared>>
      tpu.enqueue_indirect_dma source(%arg9 : memref<16x128xf32, #tpu.memory_space<vmem>>) target(%dma_start3A_92 : memref<10000x128xf32, #tpu.memory_space<vmem_shared>>) offsets(%arg8 : memref<16xi32, #tpu.memory_space<vmem>>) semaphore(%run_scoped3A : memref<!tpu.dma_semaphore, #tpu.memory_space<semaphore_mem>>) {add = true}
      %dma_wait3A = arith.constant 0 : i32
      %dma_wait3A_93 = arith.constant 0 : i32
      %dma_wait3A_94 = tpu.memref_slice %arg11[%dma_wait3A, %dma_wait3A_93] : memref<10000x128xf32, #tpu.memory_space<vmem_shared>> -> memref<10000x128xf32, #tpu.memory_space<vmem_shared>>
      tpu.wait_indirect_dma semaphore(%run_scoped3A : memref<!tpu.dma_semaphore, #tpu.memory_space<semaphore_mem>>) src(%arg9 : memref<16x128xf32, #tpu.memory_space<vmem>>) dst(%dma_wait3A_94 : memref<10000x128xf32, #tpu.memory_space<vmem_shared>>)
      tpu.yield
    }) : () -> ()
    %barrier3A_34 = arith.constant 0 : index
    tpu.barrier barrier_id(%barrier3A_34)
    %sub3A = arith.constant 128 : i32
    %sub3A_35 = arith.subi %mul3A_11, %sub3A : i32
    %eq3A_36 = arith.constant 0 : i32
    %eq3A_37 = arith.cmpi eq, %arg0, %eq3A_36 : i32
    %convert_element_type3A_38 = arith.extui %eq3A_37 : i1 to i32
    %cond3A_39 = arith.constant 0 : i32
    %cond3A_40 = arith.cmpi ne, %convert_element_type3A_38, %cond3A_39 : i32
    scf.if %cond3A_40 {
      %mul3A_91 = arith.constant 624 : i32
      %mul3A_92 = arith.muli %arg1, %mul3A_91 : i32
      %mul3A_93 = arith.constant 624 : i32
      %mul3A_94 = arith.muli %arg1, %mul3A_93 : i32
      "tpu.region"() ({
        %run_scoped3A = tpu.sem_alloc : memref<!tpu.dma_semaphore, #tpu.memory_space<semaphore_mem>>
        %dma_start3A = arith.constant 0 : i32
        %dma_start3A_100 = tpu.memref_slice %arg4[%mul3A_94, %dma_start3A] : memref<10000x128xf32, #tpu.memory_space<hbm>> -> memref<624x128xf32, #tpu.memory_space<hbm>>
        %dma_start3A_101 = arith.constant 0 : i32
        %dma_start3A_102 = tpu.memref_slice %arg11[%mul3A_92, %dma_start3A_101] : memref<10000x128xf32, #tpu.memory_space<vmem_shared>> -> memref<624x128xf32, #tpu.memory_space<vmem_shared>>
        tpu.enqueue_dma source(%dma_start3A_102 : memref<624x128xf32, #tpu.memory_space<vmem_shared>>) target(%dma_start3A_100 : memref<624x128xf32, #tpu.memory_space<hbm>>) target_semaphore(%run_scoped3A : memref<!tpu.dma_semaphore, #tpu.memory_space<semaphore_mem>>)
        %dma_wait3A = arith.constant 0 : i32
        %dma_wait3A_103 = tpu.memref_slice %arg4[%mul3A_94, %dma_wait3A] : memref<10000x128xf32, #tpu.memory_space<hbm>> -> memref<624x128xf32, #tpu.memory_space<hbm>>
        %dma_wait3A_104 = arith.constant 0 : i32
        %dma_wait3A_105 = tpu.memref_slice %arg11[%mul3A_92, %dma_wait3A_104] : memref<10000x128xf32, #tpu.memory_space<vmem_shared>> -> memref<624x128xf32, #tpu.memory_space<vmem_shared>>
        tpu.wait_dma2 semaphore(%run_scoped3A : memref<!tpu.dma_semaphore, #tpu.memory_space<semaphore_mem>>) src(%dma_wait3A_105 : memref<624x128xf32, #tpu.memory_space<vmem_shared>>) dst(%dma_wait3A_103 : memref<624x128xf32, #tpu.memory_space<hbm>>)
        tpu.yield
      }) : () -> ()
      %eq3A_95 = arith.constant 15 : i32
      %eq3A_96 = arith.cmpi eq, %arg1, %eq3A_95 : i32
      %convert_element_type3A_97 = arith.extui %eq3A_96 : i1 to i32
      %cond3A_98 = arith.constant 0 : i32
      %cond3A_99 = arith.cmpi ne, %convert_element_type3A_97, %cond3A_98 : i32
      scf.if %cond3A_99 {
        "tpu.region"() ({
          %run_scoped3A = tpu.sem_alloc : memref<!tpu.dma_semaphore, #tpu.memory_space<semaphore_mem>>
          %dma_start3A = arith.constant 9984 : i32
          %dma_start3A_100 = arith.constant 0 : i32
          %dma_start3A_101 = tpu.memref_slice %arg4[%dma_start3A, %dma_start3A_100] : memref<10000x128xf32, #tpu.memory_space<hbm>> -> memref<16x128xf32, #tpu.memory_space<hbm>>
          %dma_start3A_102 = arith.constant 9984 : i32
          %dma_start3A_103 = arith.constant 0 : i32
          %dma_start3A_104 = tpu.memref_slice %arg11[%dma_start3A_102, %dma_start3A_103] : memref<10000x128xf32, #tpu.memory_space<vmem_shared>> -> memref<16x128xf32, #tpu.memory_space<vmem_shared>>
          tpu.enqueue_dma source(%dma_start3A_104 : memref<16x128xf32, #tpu.memory_space<vmem_shared>>) target(%dma_start3A_101 : memref<16x128xf32, #tpu.memory_space<hbm>>) target_semaphore(%run_scoped3A : memref<!tpu.dma_semaphore, #tpu.memory_space<semaphore_mem>>)
          %dma_wait3A = arith.constant 9984 : i32
          %dma_wait3A_105 = arith.constant 0 : i32
          %dma_wait3A_106 = tpu.memref_slice %arg4[%dma_wait3A, %dma_wait3A_105] : memref<10000x128xf32, #tpu.memory_space<hbm>> -> memref<16x128xf32, #tpu.memory_space<hbm>>
          %dma_wait3A_107 = arith.constant 9984 : i32
          %dma_wait3A_108 = arith.constant 0 : i32
          %dma_wait3A_109 = tpu.memref_slice %arg11[%dma_wait3A_107, %dma_wait3A_108] : memref<10000x128xf32, #tpu.memory_space<vmem_shared>> -> memref<16x128xf32, #tpu.memory_space<vmem_shared>>
          tpu.wait_dma2 semaphore(%run_scoped3A : memref<!tpu.dma_semaphore, #tpu.memory_space<semaphore_mem>>) src(%dma_wait3A_109 : memref<16x128xf32, #tpu.memory_space<vmem_shared>>) dst(%dma_wait3A_106 : memref<16x128xf32, #tpu.memory_space<hbm>>)
          tpu.yield
        }) : () -> ()
      } else {
      }
    } else {
    }
    %ne3A = arith.constant 0 : i32
    %ne3A_41 = arith.cmpi ne, %arg0, %ne3A : i32
    %convert_element_type3A_42 = arith.extui %ne3A_41 : i1 to i32
    %cond3A_43 = arith.constant 0 : i32
    %cond3A_44 = arith.cmpi ne, %convert_element_type3A_42, %cond3A_43 : i32
    scf.if %cond3A_44 {
      %mul3A_91 = arith.constant 624 : i32
      %mul3A_92 = arith.muli %arg1, %mul3A_91 : i32
      %mul3A_93 = arith.constant 624 : i32
      %mul3A_94 = arith.muli %arg1, %mul3A_93 : i32
      "tpu.region"() ({
        %run_scoped3A = tpu.sem_alloc : memref<!tpu.dma_semaphore, #tpu.memory_space<semaphore_mem>>
        %dma_start3A = tpu.memref_slice %arg5[%mul3A_94, %sub3A_35] : memref<10000x384xf32, #tpu.memory_space<hbm>> -> memref<624x128xf32, #tpu.memory_space<hbm>>
        %dma_start3A_100 = arith.constant 0 : i32
        %dma_start3A_101 = tpu.memref_slice %arg11[%mul3A_92, %dma_start3A_100] : memref<10000x128xf32, #tpu.memory_space<vmem_shared>> -> memref<624x128xf32, #tpu.memory_space<vmem_shared>>
        tpu.enqueue_dma source(%dma_start3A_101 : memref<624x128xf32, #tpu.memory_space<vmem_shared>>) target(%dma_start3A : memref<624x128xf32, #tpu.memory_space<hbm>>) target_semaphore(%run_scoped3A : memref<!tpu.dma_semaphore, #tpu.memory_space<semaphore_mem>>)
        %dma_wait3A = tpu.memref_slice %arg5[%mul3A_94, %sub3A_35] : memref<10000x384xf32, #tpu.memory_space<hbm>> -> memref<624x128xf32, #tpu.memory_space<hbm>>
        %dma_wait3A_102 = arith.constant 0 : i32
        %dma_wait3A_103 = tpu.memref_slice %arg11[%mul3A_92, %dma_wait3A_102] : memref<10000x128xf32, #tpu.memory_space<vmem_shared>> -> memref<624x128xf32, #tpu.memory_space<vmem_shared>>
        tpu.wait_dma2 semaphore(%run_scoped3A : memref<!tpu.dma_semaphore, #tpu.memory_space<semaphore_mem>>) src(%dma_wait3A_103 : memref<624x128xf32, #tpu.memory_space<vmem_shared>>) dst(%dma_wait3A : memref<624x128xf32, #tpu.memory_space<hbm>>)
        tpu.yield
      }) : () -> ()
      %eq3A_95 = arith.constant 15 : i32
      %eq3A_96 = arith.cmpi eq, %arg1, %eq3A_95 : i32
      %convert_element_type3A_97 = arith.extui %eq3A_96 : i1 to i32
      %cond3A_98 = arith.constant 0 : i32
      %cond3A_99 = arith.cmpi ne, %convert_element_type3A_97, %cond3A_98 : i32
      scf.if %cond3A_99 {
        "tpu.region"() ({
          %run_scoped3A = tpu.sem_alloc : memref<!tpu.dma_semaphore, #tpu.memory_space<semaphore_mem>>
          %dma_start3A = arith.constant 9984 : i32
          %dma_start3A_100 = tpu.memref_slice %arg5[%dma_start3A, %sub3A_35] : memref<10000x384xf32, #tpu.memory_space<hbm>> -> memref<16x128xf32, #tpu.memory_space<hbm>>
          %dma_start3A_101 = arith.constant 9984 : i32
          %dma_start3A_102 = arith.constant 0 : i32
          %dma_start3A_103 = tpu.memref_slice %arg11[%dma_start3A_101, %dma_start3A_102] : memref<10000x128xf32, #tpu.memory_space<vmem_shared>> -> memref<16x128xf32, #tpu.memory_space<vmem_shared>>
          tpu.enqueue_dma source(%dma_start3A_103 : memref<16x128xf32, #tpu.memory_space<vmem_shared>>) target(%dma_start3A_100 : memref<16x128xf32, #tpu.memory_space<hbm>>) target_semaphore(%run_scoped3A : memref<!tpu.dma_semaphore, #tpu.memory_space<semaphore_mem>>)
          %dma_wait3A = arith.constant 9984 : i32
          %dma_wait3A_104 = tpu.memref_slice %arg5[%dma_wait3A, %sub3A_35] : memref<10000x384xf32, #tpu.memory_space<hbm>> -> memref<16x128xf32, #tpu.memory_space<hbm>>
          %dma_wait3A_105 = arith.constant 9984 : i32
          %dma_wait3A_106 = arith.constant 0 : i32
          %dma_wait3A_107 = tpu.memref_slice %arg11[%dma_wait3A_105, %dma_wait3A_106] : memref<10000x128xf32, #tpu.memory_space<vmem_shared>> -> memref<16x128xf32, #tpu.memory_space<vmem_shared>>
          tpu.wait_dma2 semaphore(%run_scoped3A : memref<!tpu.dma_semaphore, #tpu.memory_space<semaphore_mem>>) src(%dma_wait3A_107 : memref<16x128xf32, #tpu.memory_space<vmem_shared>>) dst(%dma_wait3A_104 : memref<16x128xf32, #tpu.memory_space<hbm>>)
          tpu.yield
        }) : () -> ()
      } else {
      }
    } else {
    }
    %barrier3A_45 = arith.constant 0 : index
    tpu.barrier barrier_id(%barrier3A_45)
    %mul3A_46 = arith.constant 2 : i32
    %mul3A_47 = arith.muli %arg0, %mul3A_46 : i32
    %add3A_48 = arith.constant 1 : i32
    %add3A_49 = arith.addi %mul3A_47, %add3A_48 : i32
    %mul3A_50 = arith.constant 128 : i32
    %mul3A_51 = arith.muli %add3A_49, %mul3A_50 : i32
    %mul3A_52 = arith.constant 624 : i32
    %mul3A_53 = arith.muli %arg1, %mul3A_52 : i32
    %add3A_54 = arith.constant 0 : i32
    %add3A_55 = arith.addi %mul3A_53, %add3A_54 : i32
    "tpu.region"() ({
      %run_scoped3A = tpu.sem_alloc : memref<!tpu.dma_semaphore, #tpu.memory_space<semaphore_mem>>
      %dma_start3A = arith.constant 0 : i32
      %dma_start3A_91 = tpu.memref_slice %arg11[%add3A_55, %dma_start3A] : memref<10000x128xf32, #tpu.memory_space<vmem_shared>> -> memref<128x128xf32, #tpu.memory_space<vmem_shared>>
      %dma_start3A_92 = arith.constant 0 : i32
      %dma_start3A_93 = tpu.memref_slice %arg11[%add3A_55, %dma_start3A_92] : memref<10000x128xf32, #tpu.memory_space<vmem_shared>> -> memref<128x128xf32, #tpu.memory_space<vmem_shared>>
      tpu.enqueue_dma source(%arg10 : memref<128x128xf32, #tpu.memory_space<vmem>>) target(%dma_start3A_93 : memref<128x128xf32, #tpu.memory_space<vmem_shared>>) target_semaphore(%run_scoped3A : memref<!tpu.dma_semaphore, #tpu.memory_space<semaphore_mem>>)
      %dma_wait3A = arith.constant 0 : i32
      %dma_wait3A_94 = tpu.memref_slice %arg11[%add3A_55, %dma_wait3A] : memref<10000x128xf32, #tpu.memory_space<vmem_shared>> -> memref<128x128xf32, #tpu.memory_space<vmem_shared>>
      %dma_wait3A_95 = arith.constant 0 : i32
      %dma_wait3A_96 = tpu.memref_slice %arg11[%add3A_55, %dma_wait3A_95] : memref<10000x128xf32, #tpu.memory_space<vmem_shared>> -> memref<128x128xf32, #tpu.memory_space<vmem_shared>>
      tpu.wait_dma2 semaphore(%run_scoped3A : memref<!tpu.dma_semaphore, #tpu.memory_space<semaphore_mem>>) src(%arg10 : memref<128x128xf32, #tpu.memory_space<vmem>>) dst(%dma_wait3A_96 : memref<128x128xf32, #tpu.memory_space<vmem_shared>>)
      tpu.yield
    }) : () -> ()
    %add3A_56 = arith.constant 128 : i32
    %add3A_57 = arith.addi %mul3A_53, %add3A_56 : i32
    "tpu.region"() ({
      %run_scoped3A = tpu.sem_alloc : memref<!tpu.dma_semaphore, #tpu.memory_space<semaphore_mem>>
      %dma_start3A = arith.constant 0 : i32
      %dma_start3A_91 = tpu.memref_slice %arg11[%add3A_57, %dma_start3A] : memref<10000x128xf32, #tpu.memory_space<vmem_shared>> -> memref<128x128xf32, #tpu.memory_space<vmem_shared>>
      %dma_start3A_92 = arith.constant 0 : i32
      %dma_start3A_93 = tpu.memref_slice %arg11[%add3A_57, %dma_start3A_92] : memref<10000x128xf32, #tpu.memory_space<vmem_shared>> -> memref<128x128xf32, #tpu.memory_space<vmem_shared>>
      tpu.enqueue_dma source(%arg10 : memref<128x128xf32, #tpu.memory_space<vmem>>) target(%dma_start3A_93 : memref<128x128xf32, #tpu.memory_space<vmem_shared>>) target_semaphore(%run_scoped3A : memref<!tpu.dma_semaphore, #tpu.memory_space<semaphore_mem>>)
      %dma_wait3A = arith.constant 0 : i32
      %dma_wait3A_94 = tpu.memref_slice %arg11[%add3A_57, %dma_wait3A] : memref<10000x128xf32, #tpu.memory_space<vmem_shared>> -> memref<128x128xf32, #tpu.memory_space<vmem_shared>>
      %dma_wait3A_95 = arith.constant 0 : i32
      %dma_wait3A_96 = tpu.memref_slice %arg11[%add3A_57, %dma_wait3A_95] : memref<10000x128xf32, #tpu.memory_space<vmem_shared>> -> memref<128x128xf32, #tpu.memory_space<vmem_shared>>
      tpu.wait_dma2 semaphore(%run_scoped3A : memref<!tpu.dma_semaphore, #tpu.memory_space<semaphore_mem>>) src(%arg10 : memref<128x128xf32, #tpu.memory_space<vmem>>) dst(%dma_wait3A_96 : memref<128x128xf32, #tpu.memory_space<vmem_shared>>)
      tpu.yield
    }) : () -> ()
    %add3A_58 = arith.constant 256 : i32
    %add3A_59 = arith.addi %mul3A_53, %add3A_58 : i32
    "tpu.region"() ({
      %run_scoped3A = tpu.sem_alloc : memref<!tpu.dma_semaphore, #tpu.memory_space<semaphore_mem>>
      %dma_start3A = arith.constant 0 : i32
      %dma_start3A_91 = tpu.memref_slice %arg11[%add3A_59, %dma_start3A] : memref<10000x128xf32, #tpu.memory_space<vmem_shared>> -> memref<128x128xf32, #tpu.memory_space<vmem_shared>>
      %dma_start3A_92 = arith.constant 0 : i32
      %dma_start3A_93 = tpu.memref_slice %arg11[%add3A_59, %dma_start3A_92] : memref<10000x128xf32, #tpu.memory_space<vmem_shared>> -> memref<128x128xf32, #tpu.memory_space<vmem_shared>>
      tpu.enqueue_dma source(%arg10 : memref<128x128xf32, #tpu.memory_space<vmem>>) target(%dma_start3A_93 : memref<128x128xf32, #tpu.memory_space<vmem_shared>>) target_semaphore(%run_scoped3A : memref<!tpu.dma_semaphore, #tpu.memory_space<semaphore_mem>>)
      %dma_wait3A = arith.constant 0 : i32
      %dma_wait3A_94 = tpu.memref_slice %arg11[%add3A_59, %dma_wait3A] : memref<10000x128xf32, #tpu.memory_space<vmem_shared>> -> memref<128x128xf32, #tpu.memory_space<vmem_shared>>
      %dma_wait3A_95 = arith.constant 0 : i32
      %dma_wait3A_96 = tpu.memref_slice %arg11[%add3A_59, %dma_wait3A_95] : memref<10000x128xf32, #tpu.memory_space<vmem_shared>> -> memref<128x128xf32, #tpu.memory_space<vmem_shared>>
      tpu.wait_dma2 semaphore(%run_scoped3A : memref<!tpu.dma_semaphore, #tpu.memory_space<semaphore_mem>>) src(%arg10 : memref<128x128xf32, #tpu.memory_space<vmem>>) dst(%dma_wait3A_96 : memref<128x128xf32, #tpu.memory_space<vmem_shared>>)
      tpu.yield
    }) : () -> ()
    %add3A_60 = arith.constant 384 : i32
    %add3A_61 = arith.addi %mul3A_53, %add3A_60 : i32
    "tpu.region"() ({
      %run_scoped3A = tpu.sem_alloc : memref<!tpu.dma_semaphore, #tpu.memory_space<semaphore_mem>>
      %dma_start3A = arith.constant 0 : i32
      %dma_start3A_91 = tpu.memref_slice %arg11[%add3A_61, %dma_start3A] : memref<10000x128xf32, #tpu.memory_space<vmem_shared>> -> memref<128x128xf32, #tpu.memory_space<vmem_shared>>
      %dma_start3A_92 = arith.constant 0 : i32
      %dma_start3A_93 = tpu.memref_slice %arg11[%add3A_61, %dma_start3A_92] : memref<10000x128xf32, #tpu.memory_space<vmem_shared>> -> memref<128x128xf32, #tpu.memory_space<vmem_shared>>
      tpu.enqueue_dma source(%arg10 : memref<128x128xf32, #tpu.memory_space<vmem>>) target(%dma_start3A_93 : memref<128x128xf32, #tpu.memory_space<vmem_shared>>) target_semaphore(%run_scoped3A : memref<!tpu.dma_semaphore, #tpu.memory_space<semaphore_mem>>)
      %dma_wait3A = arith.constant 0 : i32
      %dma_wait3A_94 = tpu.memref_slice %arg11[%add3A_61, %dma_wait3A] : memref<10000x128xf32, #tpu.memory_space<vmem_shared>> -> memref<128x128xf32, #tpu.memory_space<vmem_shared>>
      %dma_wait3A_95 = arith.constant 0 : i32
      %dma_wait3A_96 = tpu.memref_slice %arg11[%add3A_61, %dma_wait3A_95] : memref<10000x128xf32, #tpu.memory_space<vmem_shared>> -> memref<128x128xf32, #tpu.memory_space<vmem_shared>>
      tpu.wait_dma2 semaphore(%run_scoped3A : memref<!tpu.dma_semaphore, #tpu.memory_space<semaphore_mem>>) src(%arg10 : memref<128x128xf32, #tpu.memory_space<vmem>>) dst(%dma_wait3A_96 : memref<128x128xf32, #tpu.memory_space<vmem_shared>>)
      tpu.yield
    }) : () -> ()
    %add3A_62 = arith.constant 512 : i32
    %add3A_63 = arith.addi %mul3A_53, %add3A_62 : i32
    "tpu.region"() ({
      %run_scoped3A = tpu.sem_alloc : memref<!tpu.dma_semaphore, #tpu.memory_space<semaphore_mem>>
      %dma_start3A = arith.constant 0 : i32
      %dma_start3A_91 = arith.constant 0 : i32
      %dma_start3A_92 = tpu.memref_slice %arg10[%dma_start3A, %dma_start3A_91] : memref<128x128xf32, #tpu.memory_space<vmem>> -> memref<112x128xf32, #tpu.memory_space<vmem>>
      %dma_start3A_93 = arith.constant 0 : i32
      %dma_start3A_94 = tpu.memref_slice %arg11[%add3A_63, %dma_start3A_93] : memref<10000x128xf32, #tpu.memory_space<vmem_shared>> -> memref<112x128xf32, #tpu.memory_space<vmem_shared>>
      %dma_start3A_95 = arith.constant 0 : i32
      %dma_start3A_96 = tpu.memref_slice %arg11[%add3A_63, %dma_start3A_95] : memref<10000x128xf32, #tpu.memory_space<vmem_shared>> -> memref<112x128xf32, #tpu.memory_space<vmem_shared>>
      %dma_start3A_97 = arith.constant 0 : i32
      %dma_start3A_98 = arith.constant 0 : i32
      %dma_start3A_99 = tpu.memref_slice %arg10[%dma_start3A_97, %dma_start3A_98] : memref<128x128xf32, #tpu.memory_space<vmem>> -> memref<112x128xf32, #tpu.memory_space<vmem>>
      tpu.enqueue_dma source(%dma_start3A_99 : memref<112x128xf32, #tpu.memory_space<vmem>>) target(%dma_start3A_96 : memref<112x128xf32, #tpu.memory_space<vmem_shared>>) target_semaphore(%run_scoped3A : memref<!tpu.dma_semaphore, #tpu.memory_space<semaphore_mem>>)
      %dma_wait3A = arith.constant 0 : i32
      %dma_wait3A_100 = arith.constant 0 : i32
      %dma_wait3A_101 = tpu.memref_slice %arg10[%dma_wait3A, %dma_wait3A_100] : memref<128x128xf32, #tpu.memory_space<vmem>> -> memref<112x128xf32, #tpu.memory_space<vmem>>
      %dma_wait3A_102 = arith.constant 0 : i32
      %dma_wait3A_103 = tpu.memref_slice %arg11[%add3A_63, %dma_wait3A_102] : memref<10000x128xf32, #tpu.memory_space<vmem_shared>> -> memref<112x128xf32, #tpu.memory_space<vmem_shared>>
      %dma_wait3A_104 = arith.constant 0 : i32
      %dma_wait3A_105 = tpu.memref_slice %arg11[%add3A_63, %dma_wait3A_104] : memref<10000x128xf32, #tpu.memory_space<vmem_shared>> -> memref<112x128xf32, #tpu.memory_space<vmem_shared>>
      %dma_wait3A_106 = arith.constant 0 : i32
      %dma_wait3A_107 = arith.constant 0 : i32
      %dma_wait3A_108 = tpu.memref_slice %arg10[%dma_wait3A_106, %dma_wait3A_107] : memref<128x128xf32, #tpu.memory_space<vmem>> -> memref<112x128xf32, #tpu.memory_space<vmem>>
      tpu.wait_dma2 semaphore(%run_scoped3A : memref<!tpu.dma_semaphore, #tpu.memory_space<semaphore_mem>>) src(%dma_wait3A_108 : memref<112x128xf32, #tpu.memory_space<vmem>>) dst(%dma_wait3A_105 : memref<112x128xf32, #tpu.memory_space<vmem_shared>>)
      tpu.yield
    }) : () -> ()
    %eq3A_64 = arith.constant 15 : i32
    %eq3A_65 = arith.cmpi eq, %arg1, %eq3A_64 : i32
    %convert_element_type3A_66 = arith.extui %eq3A_65 : i1 to i32
    %cond3A_67 = arith.constant 0 : i32
    %cond3A_68 = arith.cmpi ne, %convert_element_type3A_66, %cond3A_67 : i32
    scf.if %cond3A_68 {
      "tpu.region"() ({
        %run_scoped3A = tpu.sem_alloc : memref<!tpu.dma_semaphore, #tpu.memory_space<semaphore_mem>>
        %dma_start3A = arith.constant 0 : i32
        %dma_start3A_91 = arith.constant 0 : i32
        %dma_start3A_92 = tpu.memref_slice %arg10[%dma_start3A, %dma_start3A_91] : memref<128x128xf32, #tpu.memory_space<vmem>> -> memref<16x128xf32, #tpu.memory_space<vmem>>
        %dma_start3A_93 = arith.constant 9984 : i32
        %dma_start3A_94 = arith.constant 0 : i32
        %dma_start3A_95 = tpu.memref_slice %arg11[%dma_start3A_93, %dma_start3A_94] : memref<10000x128xf32, #tpu.memory_space<vmem_shared>> -> memref<16x128xf32, #tpu.memory_space<vmem_shared>>
        %dma_start3A_96 = arith.constant 9984 : i32
        %dma_start3A_97 = arith.constant 0 : i32
        %dma_start3A_98 = tpu.memref_slice %arg11[%dma_start3A_96, %dma_start3A_97] : memref<10000x128xf32, #tpu.memory_space<vmem_shared>> -> memref<16x128xf32, #tpu.memory_space<vmem_shared>>
        %dma_start3A_99 = arith.constant 0 : i32
        %dma_start3A_100 = arith.constant 0 : i32
        %dma_start3A_101 = tpu.memref_slice %arg10[%dma_start3A_99, %dma_start3A_100] : memref<128x128xf32, #tpu.memory_space<vmem>> -> memref<16x128xf32, #tpu.memory_space<vmem>>
        tpu.enqueue_dma source(%dma_start3A_101 : memref<16x128xf32, #tpu.memory_space<vmem>>) target(%dma_start3A_98 : memref<16x128xf32, #tpu.memory_space<vmem_shared>>) target_semaphore(%run_scoped3A : memref<!tpu.dma_semaphore, #tpu.memory_space<semaphore_mem>>)
        %dma_wait3A = arith.constant 0 : i32
        %dma_wait3A_102 = arith.constant 0 : i32
        %dma_wait3A_103 = tpu.memref_slice %arg10[%dma_wait3A, %dma_wait3A_102] : memref<128x128xf32, #tpu.memory_space<vmem>> -> memref<16x128xf32, #tpu.memory_space<vmem>>
        %dma_wait3A_104 = arith.constant 9984 : i32
        %dma_wait3A_105 = arith.constant 0 : i32
        %dma_wait3A_106 = tpu.memref_slice %arg11[%dma_wait3A_104, %dma_wait3A_105] : memref<10000x128xf32, #tpu.memory_space<vmem_shared>> -> memref<16x128xf32, #tpu.memory_space<vmem_shared>>
        %dma_wait3A_107 = arith.constant 9984 : i32
        %dma_wait3A_108 = arith.constant 0 : i32
        %dma_wait3A_109 = tpu.memref_slice %arg11[%dma_wait3A_107, %dma_wait3A_108] : memref<10000x128xf32, #tpu.memory_space<vmem_shared>> -> memref<16x128xf32, #tpu.memory_space<vmem_shared>>
        %dma_wait3A_110 = arith.constant 0 : i32
        %dma_wait3A_111 = arith.constant 0 : i32
        %dma_wait3A_112 = tpu.memref_slice %arg10[%dma_wait3A_110, %dma_wait3A_111] : memref<128x128xf32, #tpu.memory_space<vmem>> -> memref<16x128xf32, #tpu.memory_space<vmem>>
        tpu.wait_dma2 semaphore(%run_scoped3A : memref<!tpu.dma_semaphore, #tpu.memory_space<semaphore_mem>>) src(%dma_wait3A_112 : memref<16x128xf32, #tpu.memory_space<vmem>>) dst(%dma_wait3A_109 : memref<16x128xf32, #tpu.memory_space<vmem_shared>>)
        tpu.yield
      }) : () -> ()
    } else {
    }
    %barrier3A_69 = arith.constant 0 : index
    tpu.barrier barrier_id(%barrier3A_69)
    %scan3A_70 = arith.constant 0 : i32
    %scan3A_71 = arith.constant 0 : i32
    %scan3A_72 = arith.constant 78 : i32
    %scan3A_73 = arith.addi %scan3A_71, %scan3A_72 : i32
    %scan3A_74 = arith.constant 1 : i32
    scf.for %scan3A_91 = %scan3A_71 to %scan3A_73 step %scan3A_74  : i32 {
      %mul3A_92 = arith.constant 128 : i32
      %mul3A_93 = arith.muli %scan3A_91, %mul3A_92 : i32
      %add3A_94 = arith.addi %mul3A_0, %mul3A_93 : i32
      "tpu.region"() ({
        %run_scoped3A = tpu.sem_alloc : memref<!tpu.dma_semaphore, #tpu.memory_space<semaphore_mem>>
        %dma_start3A = tpu.memref_slice %arg3[%add3A_94] : memref<160000xi32, #tpu.memory_space<hbm>> -> memref<128xi32, #tpu.memory_space<hbm>>
        %dma_start3A_95 = tpu.memref_slice %arg3[%add3A_94] : memref<160000xi32, #tpu.memory_space<hbm>> -> memref<128xi32, #tpu.memory_space<hbm>>
        tpu.enqueue_dma source(%dma_start3A_95 : memref<128xi32, #tpu.memory_space<hbm>>) target(%arg6 : memref<128xi32, #tpu.memory_space<vmem>>) target_semaphore(%run_scoped3A : memref<!tpu.dma_semaphore, #tpu.memory_space<semaphore_mem>>)
        %dma_wait3A = tpu.memref_slice %arg3[%add3A_94] : memref<160000xi32, #tpu.memory_space<hbm>> -> memref<128xi32, #tpu.memory_space<hbm>>
        %dma_wait3A_96 = tpu.memref_slice %arg3[%add3A_94] : memref<160000xi32, #tpu.memory_space<hbm>> -> memref<128xi32, #tpu.memory_space<hbm>>
        tpu.wait_dma2 semaphore(%run_scoped3A : memref<!tpu.dma_semaphore, #tpu.memory_space<semaphore_mem>>) src(%dma_wait3A_96 : memref<128xi32, #tpu.memory_space<hbm>>) dst(%arg6 : memref<128xi32, #tpu.memory_space<vmem>>)
        tpu.yield
      }) : () -> ()
      "tpu.region"() ({
        %run_scoped3A = tpu.sem_alloc : memref<!tpu.dma_semaphore, #tpu.memory_space<semaphore_mem>>
        %dma_start3A = tpu.memref_slice %arg2[%add3A_94, %mul3A_51] : memref<160000x512xf32, #tpu.memory_space<hbm>> -> memref<128x128xf32, #tpu.memory_space<hbm>>
        %dma_start3A_95 = tpu.memref_slice %arg2[%add3A_94, %mul3A_51] : memref<160000x512xf32, #tpu.memory_space<hbm>> -> memref<128x128xf32, #tpu.memory_space<hbm>>
        tpu.enqueue_dma source(%dma_start3A_95 : memref<128x128xf32, #tpu.memory_space<hbm>>) target(%arg7 : memref<128x128xf32, #tpu.memory_space<vmem>>) target_semaphore(%run_scoped3A : memref<!tpu.dma_semaphore, #tpu.memory_space<semaphore_mem>>)
        %dma_wait3A = tpu.memref_slice %arg2[%add3A_94, %mul3A_51] : memref<160000x512xf32, #tpu.memory_space<hbm>> -> memref<128x128xf32, #tpu.memory_space<hbm>>
        %dma_wait3A_96 = tpu.memref_slice %arg2[%add3A_94, %mul3A_51] : memref<160000x512xf32, #tpu.memory_space<hbm>> -> memref<128x128xf32, #tpu.memory_space<hbm>>
        tpu.wait_dma2 semaphore(%run_scoped3A : memref<!tpu.dma_semaphore, #tpu.memory_space<semaphore_mem>>) src(%dma_wait3A_96 : memref<128x128xf32, #tpu.memory_space<hbm>>) dst(%arg7 : memref<128x128xf32, #tpu.memory_space<vmem>>)
        tpu.yield
      }) : () -> ()
      "tpu.region"() ({
        %run_scoped3A = tpu.sem_alloc : memref<!tpu.dma_semaphore, #tpu.memory_space<semaphore_mem>>
        %dma_start3A = arith.constant 0 : i32
        %dma_start3A_95 = arith.constant 0 : i32
        %dma_start3A_96 = tpu.memref_slice %arg11[%dma_start3A, %dma_start3A_95] : memref<10000x128xf32, #tpu.memory_space<vmem_shared>> -> memref<10000x128xf32, #tpu.memory_space<vmem_shared>>
        tpu.enqueue_indirect_dma source(%arg7 : memref<128x128xf32, #tpu.memory_space<vmem>>) target(%dma_start3A_96 : memref<10000x128xf32, #tpu.memory_space<vmem_shared>>) offsets(%arg6 : memref<128xi32, #tpu.memory_space<vmem>>) semaphore(%run_scoped3A : memref<!tpu.dma_semaphore, #tpu.memory_space<semaphore_mem>>) {add = true}
        %dma_wait3A = arith.constant 0 : i32
        %dma_wait3A_97 = arith.constant 0 : i32
        %dma_wait3A_98 = tpu.memref_slice %arg11[%dma_wait3A, %dma_wait3A_97] : memref<10000x128xf32, #tpu.memory_space<vmem_shared>> -> memref<10000x128xf32, #tpu.memory_space<vmem_shared>>
        tpu.wait_indirect_dma semaphore(%run_scoped3A : memref<!tpu.dma_semaphore, #tpu.memory_space<semaphore_mem>>) src(%arg7 : memref<128x128xf32, #tpu.memory_space<vmem>>) dst(%dma_wait3A_98 : memref<10000x128xf32, #tpu.memory_space<vmem_shared>>)
        tpu.yield
      }) : () -> ()
    }
    %scan3A_75 = arith.constant 78 : i32
    %add3A_76 = arith.constant 9984 : i32
    %add3A_77 = arith.addi %mul3A_0, %add3A_76 : i32
    "tpu.region"() ({
      %run_scoped3A = tpu.sem_alloc : memref<!tpu.dma_semaphore, #tpu.memory_space<semaphore_mem>>
      %dma_start3A = tpu.memref_slice %arg3[%add3A_77] : memref<160000xi32, #tpu.memory_space<hbm>> -> memref<16xi32, #tpu.memory_space<hbm>>
      %dma_start3A_91 = tpu.memref_slice %arg3[%add3A_77] : memref<160000xi32, #tpu.memory_space<hbm>> -> memref<16xi32, #tpu.memory_space<hbm>>
      tpu.enqueue_dma source(%dma_start3A_91 : memref<16xi32, #tpu.memory_space<hbm>>) target(%arg8 : memref<16xi32, #tpu.memory_space<vmem>>) target_semaphore(%run_scoped3A : memref<!tpu.dma_semaphore, #tpu.memory_space<semaphore_mem>>)
      %dma_wait3A = tpu.memref_slice %arg3[%add3A_77] : memref<160000xi32, #tpu.memory_space<hbm>> -> memref<16xi32, #tpu.memory_space<hbm>>
      %dma_wait3A_92 = tpu.memref_slice %arg3[%add3A_77] : memref<160000xi32, #tpu.memory_space<hbm>> -> memref<16xi32, #tpu.memory_space<hbm>>
      tpu.wait_dma2 semaphore(%run_scoped3A : memref<!tpu.dma_semaphore, #tpu.memory_space<semaphore_mem>>) src(%dma_wait3A_92 : memref<16xi32, #tpu.memory_space<hbm>>) dst(%arg8 : memref<16xi32, #tpu.memory_space<vmem>>)
      tpu.yield
    }) : () -> ()
    "tpu.region"() ({
      %run_scoped3A = tpu.sem_alloc : memref<!tpu.dma_semaphore, #tpu.memory_space<semaphore_mem>>
      %dma_start3A = tpu.memref_slice %arg2[%add3A_77, %mul3A_51] : memref<160000x512xf32, #tpu.memory_space<hbm>> -> memref<16x128xf32, #tpu.memory_space<hbm>>
      %dma_start3A_91 = tpu.memref_slice %arg2[%add3A_77, %mul3A_51] : memref<160000x512xf32, #tpu.memory_space<hbm>> -> memref<16x128xf32, #tpu.memory_space<hbm>>
      tpu.enqueue_dma source(%dma_start3A_91 : memref<16x128xf32, #tpu.memory_space<hbm>>) target(%arg9 : memref<16x128xf32, #tpu.memory_space<vmem>>) target_semaphore(%run_scoped3A : memref<!tpu.dma_semaphore, #tpu.memory_space<semaphore_mem>>)
      %dma_wait3A = tpu.memref_slice %arg2[%add3A_77, %mul3A_51] : memref<160000x512xf32, #tpu.memory_space<hbm>> -> memref<16x128xf32, #tpu.memory_space<hbm>>
      %dma_wait3A_92 = tpu.memref_slice %arg2[%add3A_77, %mul3A_51] : memref<160000x512xf32, #tpu.memory_space<hbm>> -> memref<16x128xf32, #tpu.memory_space<hbm>>
      tpu.wait_dma2 semaphore(%run_scoped3A : memref<!tpu.dma_semaphore, #tpu.memory_space<semaphore_mem>>) src(%dma_wait3A_92 : memref<16x128xf32, #tpu.memory_space<hbm>>) dst(%arg9 : memref<16x128xf32, #tpu.memory_space<vmem>>)
      tpu.yield
    }) : () -> ()
    "tpu.region"() ({
      %run_scoped3A = tpu.sem_alloc : memref<!tpu.dma_semaphore, #tpu.memory_space<semaphore_mem>>
      %dma_start3A = arith.constant 0 : i32
      %dma_start3A_91 = arith.constant 0 : i32
      %dma_start3A_92 = tpu.memref_slice %arg11[%dma_start3A, %dma_start3A_91] : memref<10000x128xf32, #tpu.memory_space<vmem_shared>> -> memref<10000x128xf32, #tpu.memory_space<vmem_shared>>
      tpu.enqueue_indirect_dma source(%arg9 : memref<16x128xf32, #tpu.memory_space<vmem>>) target(%dma_start3A_92 : memref<10000x128xf32, #tpu.memory_space<vmem_shared>>) offsets(%arg8 : memref<16xi32, #tpu.memory_space<vmem>>) semaphore(%run_scoped3A : memref<!tpu.dma_semaphore, #tpu.memory_space<semaphore_mem>>) {add = true}
      %dma_wait3A = arith.constant 0 : i32
      %dma_wait3A_93 = arith.constant 0 : i32
      %dma_wait3A_94 = tpu.memref_slice %arg11[%dma_wait3A, %dma_wait3A_93] : memref<10000x128xf32, #tpu.memory_space<vmem_shared>> -> memref<10000x128xf32, #tpu.memory_space<vmem_shared>>
      tpu.wait_indirect_dma semaphore(%run_scoped3A : memref<!tpu.dma_semaphore, #tpu.memory_space<semaphore_mem>>) src(%arg9 : memref<16x128xf32, #tpu.memory_space<vmem>>) dst(%dma_wait3A_94 : memref<10000x128xf32, #tpu.memory_space<vmem_shared>>)
      tpu.yield
    }) : () -> ()
    %barrier3A_78 = arith.constant 0 : index
    tpu.barrier barrier_id(%barrier3A_78)
    %sub3A_79 = arith.constant 128 : i32
    %sub3A_80 = arith.subi %mul3A_51, %sub3A_79 : i32
    %mul3A_81 = arith.constant 624 : i32
    %mul3A_82 = arith.muli %arg1, %mul3A_81 : i32
    %mul3A_83 = arith.constant 624 : i32
    %mul3A_84 = arith.muli %arg1, %mul3A_83 : i32
    "tpu.region"() ({
      %run_scoped3A = tpu.sem_alloc : memref<!tpu.dma_semaphore, #tpu.memory_space<semaphore_mem>>
      %dma_start3A = tpu.memref_slice %arg5[%mul3A_84, %sub3A_80] : memref<10000x384xf32, #tpu.memory_space<hbm>> -> memref<624x128xf32, #tpu.memory_space<hbm>>
      %dma_start3A_91 = arith.constant 0 : i32
      %dma_start3A_92 = tpu.memref_slice %arg11[%mul3A_82, %dma_start3A_91] : memref<10000x128xf32, #tpu.memory_space<vmem_shared>> -> memref<624x128xf32, #tpu.memory_space<vmem_shared>>
      tpu.enqueue_dma source(%dma_start3A_92 : memref<624x128xf32, #tpu.memory_space<vmem_shared>>) target(%dma_start3A : memref<624x128xf32, #tpu.memory_space<hbm>>) target_semaphore(%run_scoped3A : memref<!tpu.dma_semaphore, #tpu.memory_space<semaphore_mem>>)
      %dma_wait3A = tpu.memref_slice %arg5[%mul3A_84, %sub3A_80] : memref<10000x384xf32, #tpu.memory_space<hbm>> -> memref<624x128xf32, #tpu.memory_space<hbm>>
      %dma_wait3A_93 = arith.constant 0 : i32
      %dma_wait3A_94 = tpu.memref_slice %arg11[%mul3A_82, %dma_wait3A_93] : memref<10000x128xf32, #tpu.memory_space<vmem_shared>> -> memref<624x128xf32, #tpu.memory_space<vmem_shared>>
      tpu.wait_dma2 semaphore(%run_scoped3A : memref<!tpu.dma_semaphore, #tpu.memory_space<semaphore_mem>>) src(%dma_wait3A_94 : memref<624x128xf32, #tpu.memory_space<vmem_shared>>) dst(%dma_wait3A : memref<624x128xf32, #tpu.memory_space<hbm>>)
      tpu.yield
    }) : () -> ()
    %eq3A_85 = arith.constant 15 : i32
    %eq3A_86 = arith.cmpi eq, %arg1, %eq3A_85 : i32
    %convert_element_type3A_87 = arith.extui %eq3A_86 : i1 to i32
    %cond3A_88 = arith.constant 0 : i32
    %cond3A_89 = arith.cmpi ne, %convert_element_type3A_87, %cond3A_88 : i32
    scf.if %cond3A_89 {
      "tpu.region"() ({
        %run_scoped3A = tpu.sem_alloc : memref<!tpu.dma_semaphore, #tpu.memory_space<semaphore_mem>>
        %dma_start3A = arith.constant 9984 : i32
        %dma_start3A_91 = tpu.memref_slice %arg5[%dma_start3A, %sub3A_80] : memref<10000x384xf32, #tpu.memory_space<hbm>> -> memref<16x128xf32, #tpu.memory_space<hbm>>
        %dma_start3A_92 = arith.constant 9984 : i32
        %dma_start3A_93 = arith.constant 0 : i32
        %dma_start3A_94 = tpu.memref_slice %arg11[%dma_start3A_92, %dma_start3A_93] : memref<10000x128xf32, #tpu.memory_space<vmem_shared>> -> memref<16x128xf32, #tpu.memory_space<vmem_shared>>
        tpu.enqueue_dma source(%dma_start3A_94 : memref<16x128xf32, #tpu.memory_space<vmem_shared>>) target(%dma_start3A_91 : memref<16x128xf32, #tpu.memory_space<hbm>>) target_semaphore(%run_scoped3A : memref<!tpu.dma_semaphore, #tpu.memory_space<semaphore_mem>>)
        %dma_wait3A = arith.constant 9984 : i32
        %dma_wait3A_95 = tpu.memref_slice %arg5[%dma_wait3A, %sub3A_80] : memref<10000x384xf32, #tpu.memory_space<hbm>> -> memref<16x128xf32, #tpu.memory_space<hbm>>
        %dma_wait3A_96 = arith.constant 9984 : i32
        %dma_wait3A_97 = arith.constant 0 : i32
        %dma_wait3A_98 = tpu.memref_slice %arg11[%dma_wait3A_96, %dma_wait3A_97] : memref<10000x128xf32, #tpu.memory_space<vmem_shared>> -> memref<16x128xf32, #tpu.memory_space<vmem_shared>>
        tpu.wait_dma2 semaphore(%run_scoped3A : memref<!tpu.dma_semaphore, #tpu.memory_space<semaphore_mem>>) src(%dma_wait3A_98 : memref<16x128xf32, #tpu.memory_space<vmem_shared>>) dst(%dma_wait3A_95 : memref<16x128xf32, #tpu.memory_space<hbm>>)
        tpu.yield
      }) : () -> ()
    } else {
    }
    %barrier3A_90 = arith.constant 0 : index
    tpu.barrier barrier_id(%barrier3A_90)
    return
  }
}

module attributes {stable_mosaic.version = 14 : i64} {
  func.func @_edge_body(%arg0: i32, %arg1: memref<1000x128xf32, #tpu.memory_space<vmem>>, %arg2: memref<1000x128xf32, #tpu.memory_space<vmem>>, %arg3: memref<1000x384xf32, #tpu.memory_space<vmem>>, %arg4: memref<1000x3xf32, #tpu.memory_space<vmem>>, %arg5: memref<1x128xf32, #tpu.memory_space<vmem>>, %arg6: memref<1x128xf32, #tpu.memory_space<vmem>>, %arg7: memref<128x512xf32, #tpu.memory_space<vmem>>, %arg8: memref<128x512xf32, #tpu.memory_space<vmem>>, %arg9: memref<128x512xf32, #tpu.memory_space<vmem>>, %arg10: memref<20x512xf32, #tpu.memory_space<vmem>>, %arg11: memref<1x512xf32, #tpu.memory_space<vmem>>, %arg12: memref<20x512xf32, #tpu.memory_space<vmem>>, %arg13: memref<1x512xf32, #tpu.memory_space<vmem>>, %arg14: memref<512x384xf32, #tpu.memory_space<vmem>>, %arg15: memref<1x384xf32, #tpu.memory_space<vmem>>, %arg16: memref<1000x512xf32, #tpu.memory_space<vmem>>) attributes {dimension_semantics = [#tpu.dimension_semantics<arbitrary>], iteration_bounds = array<i64: 160>, scalar_prefetch = 0 : i64, scratch_operands = 0 : i64, tpu.core_type = #tpu.core_type<tc>, window_params = [{transform_indices = @transform_0, window_bounds = array<i64: 1000, 128>}, {transform_indices = @transform_1, window_bounds = array<i64: 1000, 128>}, {transform_indices = @transform_2, window_bounds = array<i64: 1000, 384>}, {transform_indices = @transform_3, window_bounds = array<i64: 1000, 3>}, {pipeline_mode = #tpu.pipeline_mode<synchronous>, transform_indices = @transform_4, window_bounds = array<i64: 1, 128>}, {pipeline_mode = #tpu.pipeline_mode<synchronous>, transform_indices = @transform_5, window_bounds = array<i64: 1, 128>}, {pipeline_mode = #tpu.pipeline_mode<synchronous>, transform_indices = @transform_6, window_bounds = array<i64: 128, 512>}, {pipeline_mode = #tpu.pipeline_mode<synchronous>, transform_indices = @transform_7, window_bounds = array<i64: 128, 512>}, {pipeline_mode = #tpu.pipeline_mode<synchronous>, transform_indices = @transform_8, window_bounds = array<i64: 128, 512>}, {pipeline_mode = #tpu.pipeline_mode<synchronous>, transform_indices = @transform_9, window_bounds = array<i64: 20, 512>}, {pipeline_mode = #tpu.pipeline_mode<synchronous>, transform_indices = @transform_10, window_bounds = array<i64: 1, 512>}, {pipeline_mode = #tpu.pipeline_mode<synchronous>, transform_indices = @transform_11, window_bounds = array<i64: 20, 512>}, {pipeline_mode = #tpu.pipeline_mode<synchronous>, transform_indices = @transform_12, window_bounds = array<i64: 1, 512>}, {pipeline_mode = #tpu.pipeline_mode<synchronous>, transform_indices = @transform_13, window_bounds = array<i64: 512, 384>}, {pipeline_mode = #tpu.pipeline_mode<synchronous>, transform_indices = @transform_14, window_bounds = array<i64: 1, 384>}, {transform_indices = @transform_15, window_bounds = array<i64: 1000, 512>}]} {
    %get3A = arith.constant 0 : index
    %get3A_0 = arith.constant 0 : index
    %get3A_1 = vector.load %arg5[%get3A, %get3A_0] : memref<1x128xf32, #tpu.memory_space<vmem>>, vector<1x128xf32>
    %get3A_2 = arith.constant 0 : index
    %get3A_3 = arith.constant 0 : index
    %get3A_4 = vector.load %arg6[%get3A_2, %get3A_3] : memref<1x128xf32, #tpu.memory_space<vmem>>, vector<1x128xf32>
    %get3A_5 = arith.constant 0 : index
    %get3A_6 = arith.constant 0 : index
    %get3A_7 = vector.load %arg1[%get3A_5, %get3A_6] : memref<1000x128xf32, #tpu.memory_space<vmem>>, vector<1000x128xf32>
    %reduce_sum3A = arith.constant dense<0.000000e+00> : vector<1000xf32>
    %reduce_sum3A_8 = vector.multi_reduction <add>, %get3A_7, %reduce_sum3A [1] : vector<1000x128xf32> to vector<1000xf32>
    %broadcast_in_dim3A = vector.shape_cast %reduce_sum3A_8 : vector<1000xf32> to vector<1000x1xf32>
    %div3A = arith.constant 1.280000e+02 : f32
    %div3A_9 = vector.broadcast %div3A : f32 to vector<1000x1xf32>
    %div3A_10 = arith.divf %broadcast_in_dim3A, %div3A_9 : vector<1000x1xf32>
    %sub3A = vector.broadcast %div3A_10 : vector<1000x1xf32> to vector<1000x128xf32>
    %sub3A_11 = arith.subf %get3A_7, %sub3A : vector<1000x128xf32>
    %mul3A = arith.mulf %sub3A_11, %sub3A_11 : vector<1000x128xf32>
    %reduce_sum3A_12 = arith.constant dense<0.000000e+00> : vector<1000xf32>
    %reduce_sum3A_13 = vector.multi_reduction <add>, %mul3A, %reduce_sum3A_12 [1] : vector<1000x128xf32> to vector<1000xf32>
    %broadcast_in_dim3A_14 = vector.shape_cast %reduce_sum3A_13 : vector<1000xf32> to vector<1000x1xf32>
    %div3A_15 = arith.constant 1.280000e+02 : f32
    %div3A_16 = vector.broadcast %div3A_15 : f32 to vector<1000x1xf32>
    %div3A_17 = arith.divf %broadcast_in_dim3A_14, %div3A_16 : vector<1000x1xf32>
    %add3A = arith.constant 9.99999974E-6 : f32
    %add3A_18 = vector.broadcast %add3A : f32 to vector<1000x1xf32>
    %add3A_19 = arith.addf %div3A_17, %add3A_18 : vector<1000x1xf32>
    %sqrt3A = math.sqrt %add3A_19 : vector<1000x1xf32>
    %div3A_20 = vector.broadcast %sqrt3A : vector<1000x1xf32> to vector<1000x128xf32>
    %div3A_21 = arith.divf %sub3A_11, %div3A_20 : vector<1000x128xf32>
    %mul3A_22 = vector.broadcast %get3A_1 : vector<1x128xf32> to vector<1000x128xf32>
    %mul3A_23 = arith.mulf %div3A_21, %mul3A_22 : vector<1000x128xf32>
    %add3A_24 = vector.broadcast %get3A_4 : vector<1x128xf32> to vector<1000x128xf32>
    %add3A_25 = arith.addf %mul3A_23, %add3A_24 : vector<1000x128xf32>
    %get3A_26 = arith.constant 0 : index
    %get3A_27 = arith.constant 0 : index
    %get3A_28 = vector.load %arg2[%get3A_26, %get3A_27] : memref<1000x128xf32, #tpu.memory_space<vmem>>, vector<1000x128xf32>
    %reduce_sum3A_29 = arith.constant dense<0.000000e+00> : vector<1000xf32>
    %reduce_sum3A_30 = vector.multi_reduction <add>, %get3A_28, %reduce_sum3A_29 [1] : vector<1000x128xf32> to vector<1000xf32>
    %broadcast_in_dim3A_31 = vector.shape_cast %reduce_sum3A_30 : vector<1000xf32> to vector<1000x1xf32>
    %div3A_32 = arith.constant 1.280000e+02 : f32
    %div3A_33 = vector.broadcast %div3A_32 : f32 to vector<1000x1xf32>
    %div3A_34 = arith.divf %broadcast_in_dim3A_31, %div3A_33 : vector<1000x1xf32>
    %sub3A_35 = vector.broadcast %div3A_34 : vector<1000x1xf32> to vector<1000x128xf32>
    %sub3A_36 = arith.subf %get3A_28, %sub3A_35 : vector<1000x128xf32>
    %mul3A_37 = arith.mulf %sub3A_36, %sub3A_36 : vector<1000x128xf32>
    %reduce_sum3A_38 = arith.constant dense<0.000000e+00> : vector<1000xf32>
    %reduce_sum3A_39 = vector.multi_reduction <add>, %mul3A_37, %reduce_sum3A_38 [1] : vector<1000x128xf32> to vector<1000xf32>
    %broadcast_in_dim3A_40 = vector.shape_cast %reduce_sum3A_39 : vector<1000xf32> to vector<1000x1xf32>
    %div3A_41 = arith.constant 1.280000e+02 : f32
    %div3A_42 = vector.broadcast %div3A_41 : f32 to vector<1000x1xf32>
    %div3A_43 = arith.divf %broadcast_in_dim3A_40, %div3A_42 : vector<1000x1xf32>
    %add3A_44 = arith.constant 9.99999974E-6 : f32
    %add3A_45 = vector.broadcast %add3A_44 : f32 to vector<1000x1xf32>
    %add3A_46 = arith.addf %div3A_43, %add3A_45 : vector<1000x1xf32>
    %sqrt3A_47 = math.sqrt %add3A_46 : vector<1000x1xf32>
    %div3A_48 = vector.broadcast %sqrt3A_47 : vector<1000x1xf32> to vector<1000x128xf32>
    %div3A_49 = arith.divf %sub3A_36, %div3A_48 : vector<1000x128xf32>
    %mul3A_50 = vector.broadcast %get3A_1 : vector<1x128xf32> to vector<1000x128xf32>
    %mul3A_51 = arith.mulf %div3A_49, %mul3A_50 : vector<1000x128xf32>
    %add3A_52 = vector.broadcast %get3A_4 : vector<1x128xf32> to vector<1000x128xf32>
    %add3A_53 = arith.addf %mul3A_51, %add3A_52 : vector<1000x128xf32>
    %get3A_54 = arith.constant 0 : index
    %get3A_55 = arith.constant 0 : index
    %get3A_56 = vector.load %arg7[%get3A_54, %get3A_55] : memref<128x512xf32, #tpu.memory_space<vmem>>, vector<128x512xf32>
    %dot_general3A = arith.constant dense<0.000000e+00> : vector<1000x512xf32>
    %dot_general3A_57 = tpu.matmul %add3A_25, %get3A_56, %dot_general3A {dimension_numbers = #tpu.dot_dimension_numbers<[1], [0], [0], [1], [0, 0, 1, 1], [], []>, transpose_lhs_hint = false} : vector<1000x128xf32>, vector<128x512xf32>, vector<1000x512xf32> -> vector<1000x512xf32>
    %get3A_58 = arith.constant 0 : index
    %get3A_59 = arith.constant 0 : index
    %get3A_60 = vector.load %arg8[%get3A_58, %get3A_59] : memref<128x512xf32, #tpu.memory_space<vmem>>, vector<128x512xf32>
    %dot_general3A_61 = arith.constant dense<0.000000e+00> : vector<1000x512xf32>
    %dot_general3A_62 = tpu.matmul %add3A_53, %get3A_60, %dot_general3A_61 {dimension_numbers = #tpu.dot_dimension_numbers<[1], [0], [0], [1], [0, 0, 1, 1], [], []>, transpose_lhs_hint = false} : vector<1000x128xf32>, vector<128x512xf32>, vector<1000x512xf32> -> vector<1000x512xf32>
    %get3A_63 = arith.constant 0 : index
    %get3A_64 = arith.constant 0 : index
    %get3A_65 = vector.load %arg9[%get3A_63, %get3A_64] : memref<128x512xf32, #tpu.memory_space<vmem>>, vector<128x512xf32>
    %dot_general3A_66 = arith.constant dense<0.000000e+00> : vector<1000x512xf32>
    %dot_general3A_67 = tpu.matmul %add3A_53, %get3A_65, %dot_general3A_66 {dimension_numbers = #tpu.dot_dimension_numbers<[1], [0], [0], [1], [0, 0, 1, 1], [], []>, transpose_lhs_hint = false} : vector<1000x128xf32>, vector<128x512xf32>, vector<1000x512xf32> -> vector<1000x512xf32>
    %get3A_68 = arith.constant 0 : index
    %get3A_69 = arith.constant 0 : index
    %get3A_70 = vector.load %arg4[%get3A_68, %get3A_69] : memref<1000x3xf32, #tpu.memory_space<vmem>>, vector<1000x3xf32>
    %mul3A_71 = arith.mulf %get3A_70, %get3A_70 : vector<1000x3xf32>
    %add3A_72 = arith.constant 1.000000e-15 : f32
    %add3A_73 = vector.broadcast %add3A_72 : f32 to vector<1000x3xf32>
    %add3A_74 = arith.addf %mul3A_71, %add3A_73 : vector<1000x3xf32>
    %reduce_sum3A_75 = arith.constant dense<0.000000e+00> : vector<1000xf32>
    %reduce_sum3A_76 = vector.multi_reduction <add>, %add3A_74, %reduce_sum3A_75 [1] : vector<1000x3xf32> to vector<1000xf32>
    %broadcast_in_dim3A_77 = vector.shape_cast %reduce_sum3A_76 : vector<1000xf32> to vector<1000x1xf32>
    %sqrt3A_78 = math.sqrt %broadcast_in_dim3A_77 : vector<1000x1xf32>
    %div3A_79 = vector.broadcast %sqrt3A_78 : vector<1000x1xf32> to vector<1000x3xf32>
    %div3A_80 = arith.divf %get3A_70, %div3A_79 : vector<1000x3xf32>
    %iota3A = tpu.iota {dimensions = array<i32: 1>} : vector<1x20xi32>
    %convert_element_type3A = arith.sitofp %iota3A : vector<1x20xi32> to vector<1x20xf32>
    %mul3A_81 = arith.constant 0.263157904 : f32
    %mul3A_82 = vector.broadcast %mul3A_81 : f32 to vector<1x20xf32>
    %mul3A_83 = arith.mulf %convert_element_type3A, %mul3A_82 : vector<1x20xf32>
    %sub3A_84 = vector.broadcast %sqrt3A_78 : vector<1000x1xf32> to vector<1000x20xf32>
    %sub3A_85 = vector.broadcast %mul3A_83 : vector<1x20xf32> to vector<1000x20xf32>
    %sub3A_86 = arith.subf %sub3A_84, %sub3A_85 : vector<1000x20xf32>
    %mul3A_87 = arith.mulf %sub3A_86, %sub3A_86 : vector<1000x20xf32>
    %mul3A_88 = arith.constant -7.220000e+00 : f32
    %mul3A_89 = vector.broadcast %mul3A_88 : f32 to vector<1000x20xf32>
    %mul3A_90 = arith.mulf %mul3A_87, %mul3A_89 : vector<1000x20xf32>
    %exp3A = math.exp %mul3A_90 : vector<1000x20xf32>
    %get3A_91 = arith.constant 0 : index
    %get3A_92 = arith.constant 0 : index
    %get3A_93 = vector.load %arg10[%get3A_91, %get3A_92] : memref<20x512xf32, #tpu.memory_space<vmem>>, vector<20x512xf32>
    %dot_general3A_94 = arith.constant dense<0.000000e+00> : vector<1000x512xf32>
    %dot_general3A_95 = tpu.matmul %exp3A, %get3A_93, %dot_general3A_94 {dimension_numbers = #tpu.dot_dimension_numbers<[1], [0], [0], [1], [0, 0, 1, 1], [], []>, transpose_lhs_hint = false} : vector<1000x20xf32>, vector<20x512xf32>, vector<1000x512xf32> -> vector<1000x512xf32>
    %get3A_96 = arith.constant 0 : index
    %get3A_97 = arith.constant 0 : index
    %get3A_98 = vector.load %arg11[%get3A_96, %get3A_97] : memref<1x512xf32, #tpu.memory_space<vmem>>, vector<1x512xf32>
    %add3A_99 = vector.broadcast %get3A_98 : vector<1x512xf32> to vector<1000x512xf32>
    %add3A_100 = arith.addf %dot_general3A_95, %add3A_99 : vector<1000x512xf32>
    %neg3A = arith.constant 0.000000e+00 : f32
    %neg3A_101 = vector.broadcast %neg3A : f32 to vector<1000x512xf32>
    %neg3A_102 = arith.subf %neg3A_101, %add3A_100 : vector<1000x512xf32>
    %exp3A_103 = math.exp %neg3A_102 : vector<1000x512xf32>
    %add3A_104 = arith.constant 1.000000e+00 : f32
    %add3A_105 = vector.broadcast %add3A_104 : f32 to vector<1000x512xf32>
    %add3A_106 = arith.addf %add3A_105, %exp3A_103 : vector<1000x512xf32>
    %div3A_107 = arith.constant 1.000000e+00 : f32
    %div3A_108 = vector.broadcast %div3A_107 : f32 to vector<1000x512xf32>
    %div3A_109 = arith.divf %div3A_108, %add3A_106 : vector<1000x512xf32>
    %mul3A_110 = arith.mulf %add3A_100, %div3A_109 : vector<1000x512xf32>
    %get3A_111 = arith.constant 0 : index
    %get3A_112 = arith.constant 0 : index
    %get3A_113 = vector.load %arg12[%get3A_111, %get3A_112] : memref<20x512xf32, #tpu.memory_space<vmem>>, vector<20x512xf32>
    %dot_general3A_114 = arith.constant dense<0.000000e+00> : vector<1000x512xf32>
    %dot_general3A_115 = tpu.matmul %exp3A, %get3A_113, %dot_general3A_114 {dimension_numbers = #tpu.dot_dimension_numbers<[1], [0], [0], [1], [0, 0, 1, 1], [], []>, transpose_lhs_hint = false} : vector<1000x20xf32>, vector<20x512xf32>, vector<1000x512xf32> -> vector<1000x512xf32>
    %get3A_116 = arith.constant 0 : index
    %get3A_117 = arith.constant 0 : index
    %get3A_118 = vector.load %arg13[%get3A_116, %get3A_117] : memref<1x512xf32, #tpu.memory_space<vmem>>, vector<1x512xf32>
    %add3A_119 = vector.broadcast %get3A_118 : vector<1x512xf32> to vector<1000x512xf32>
    %add3A_120 = arith.addf %dot_general3A_115, %add3A_119 : vector<1000x512xf32>
    %neg3A_121 = arith.constant 0.000000e+00 : f32
    %neg3A_122 = vector.broadcast %neg3A_121 : f32 to vector<1000x512xf32>
    %neg3A_123 = arith.subf %neg3A_122, %add3A_120 : vector<1000x512xf32>
    %exp3A_124 = math.exp %neg3A_123 : vector<1000x512xf32>
    %add3A_125 = arith.constant 1.000000e+00 : f32
    %add3A_126 = vector.broadcast %add3A_125 : f32 to vector<1000x512xf32>
    %add3A_127 = arith.addf %add3A_126, %exp3A_124 : vector<1000x512xf32>
    %div3A_128 = arith.constant 1.000000e+00 : f32
    %div3A_129 = vector.broadcast %div3A_128 : f32 to vector<1000x512xf32>
    %div3A_130 = arith.divf %div3A_129, %add3A_127 : vector<1000x512xf32>
    %mul3A_131 = arith.mulf %add3A_120, %div3A_130 : vector<1000x512xf32>
    %mul3A_132 = arith.mulf %dot_general3A_57, %dot_general3A_62 : vector<1000x512xf32>
    %mul3A_133 = arith.mulf %mul3A_132, %mul3A_110 : vector<1000x512xf32>
    %slice3A = vector.extract_strided_slice %mul3A_133 {offsets = [0, 0], sizes = [1000, 128], strides = [1, 1]} : vector<1000x512xf32> to vector<1000x128xf32>
    %reduce_sum3A_134 = arith.constant dense<0.000000e+00> : vector<1000xf32>
    %reduce_sum3A_135 = vector.multi_reduction <add>, %slice3A, %reduce_sum3A_134 [1] : vector<1000x128xf32> to vector<1000xf32>
    %broadcast_in_dim3A_136 = vector.shape_cast %reduce_sum3A_135 : vector<1000xf32> to vector<1000x1xf32>
    %neg3A_137 = arith.constant 0.000000e+00 : f32
    %neg3A_138 = vector.broadcast %neg3A_137 : f32 to vector<1000x1xf32>
    %neg3A_139 = arith.subf %neg3A_138, %broadcast_in_dim3A_136 : vector<1000x1xf32>
    %exp3A_140 = math.exp %neg3A_139 : vector<1000x1xf32>
    %add3A_141 = arith.constant 1.000000e+00 : f32
    %add3A_142 = vector.broadcast %add3A_141 : f32 to vector<1000x1xf32>
    %add3A_143 = arith.addf %add3A_142, %exp3A_140 : vector<1000x1xf32>
    %div3A_144 = arith.constant 1.000000e+00 : f32
    %div3A_145 = vector.broadcast %div3A_144 : f32 to vector<1000x1xf32>
    %div3A_146 = arith.divf %div3A_145, %add3A_143 : vector<1000x1xf32>
    %mul3A_147 = arith.mulf %broadcast_in_dim3A_136, %div3A_146 : vector<1000x1xf32>
    %slice3A_148 = vector.extract_strided_slice %dot_general3A_67 {offsets = [0, 0], sizes = [1000, 128], strides = [1, 1]} : vector<1000x512xf32> to vector<1000x128xf32>
    %slice3A_149 = vector.extract_strided_slice %mul3A_131 {offsets = [0, 0], sizes = [1000, 128], strides = [1, 1]} : vector<1000x512xf32> to vector<1000x128xf32>
    %mul3A_150 = arith.mulf %slice3A_148, %slice3A_149 : vector<1000x128xf32>
    %mul3A_151 = vector.broadcast %mul3A_147 : vector<1000x1xf32> to vector<1000x128xf32>
    %mul3A_152 = arith.mulf %mul3A_150, %mul3A_151 : vector<1000x128xf32>
    %slice3A_153 = vector.extract_strided_slice %mul3A_133 {offsets = [0, 128], sizes = [1000, 128], strides = [1, 1]} : vector<1000x512xf32> to vector<1000x128xf32>
    %reduce_sum3A_154 = arith.constant dense<0.000000e+00> : vector<1000xf32>
    %reduce_sum3A_155 = vector.multi_reduction <add>, %slice3A_153, %reduce_sum3A_154 [1] : vector<1000x128xf32> to vector<1000xf32>
    %broadcast_in_dim3A_156 = vector.shape_cast %reduce_sum3A_155 : vector<1000xf32> to vector<1000x1xf32>
    %neg3A_157 = arith.constant 0.000000e+00 : f32
    %neg3A_158 = vector.broadcast %neg3A_157 : f32 to vector<1000x1xf32>
    %neg3A_159 = arith.subf %neg3A_158, %broadcast_in_dim3A_156 : vector<1000x1xf32>
    %exp3A_160 = math.exp %neg3A_159 : vector<1000x1xf32>
    %add3A_161 = arith.constant 1.000000e+00 : f32
    %add3A_162 = vector.broadcast %add3A_161 : f32 to vector<1000x1xf32>
    %add3A_163 = arith.addf %add3A_162, %exp3A_160 : vector<1000x1xf32>
    %div3A_164 = arith.constant 1.000000e+00 : f32
    %div3A_165 = vector.broadcast %div3A_164 : f32 to vector<1000x1xf32>
    %div3A_166 = arith.divf %div3A_165, %add3A_163 : vector<1000x1xf32>
    %mul3A_167 = arith.mulf %broadcast_in_dim3A_156, %div3A_166 : vector<1000x1xf32>
    %slice3A_168 = vector.extract_strided_slice %dot_general3A_67 {offsets = [0, 128], sizes = [1000, 128], strides = [1, 1]} : vector<1000x512xf32> to vector<1000x128xf32>
    %slice3A_169 = vector.extract_strided_slice %mul3A_131 {offsets = [0, 128], sizes = [1000, 128], strides = [1, 1]} : vector<1000x512xf32> to vector<1000x128xf32>
    %mul3A_170 = arith.mulf %slice3A_168, %slice3A_169 : vector<1000x128xf32>
    %mul3A_171 = vector.broadcast %mul3A_167 : vector<1000x1xf32> to vector<1000x128xf32>
    %mul3A_172 = arith.mulf %mul3A_170, %mul3A_171 : vector<1000x128xf32>
    %slice3A_173 = vector.extract_strided_slice %mul3A_133 {offsets = [0, 256], sizes = [1000, 128], strides = [1, 1]} : vector<1000x512xf32> to vector<1000x128xf32>
    %reduce_sum3A_174 = arith.constant dense<0.000000e+00> : vector<1000xf32>
    %reduce_sum3A_175 = vector.multi_reduction <add>, %slice3A_173, %reduce_sum3A_174 [1] : vector<1000x128xf32> to vector<1000xf32>
    %broadcast_in_dim3A_176 = vector.shape_cast %reduce_sum3A_175 : vector<1000xf32> to vector<1000x1xf32>
    %neg3A_177 = arith.constant 0.000000e+00 : f32
    %neg3A_178 = vector.broadcast %neg3A_177 : f32 to vector<1000x1xf32>
    %neg3A_179 = arith.subf %neg3A_178, %broadcast_in_dim3A_176 : vector<1000x1xf32>
    %exp3A_180 = math.exp %neg3A_179 : vector<1000x1xf32>
    %add3A_181 = arith.constant 1.000000e+00 : f32
    %add3A_182 = vector.broadcast %add3A_181 : f32 to vector<1000x1xf32>
    %add3A_183 = arith.addf %add3A_182, %exp3A_180 : vector<1000x1xf32>
    %div3A_184 = arith.constant 1.000000e+00 : f32
    %div3A_185 = vector.broadcast %div3A_184 : f32 to vector<1000x1xf32>
    %div3A_186 = arith.divf %div3A_185, %add3A_183 : vector<1000x1xf32>
    %mul3A_187 = arith.mulf %broadcast_in_dim3A_176, %div3A_186 : vector<1000x1xf32>
    %slice3A_188 = vector.extract_strided_slice %dot_general3A_67 {offsets = [0, 256], sizes = [1000, 128], strides = [1, 1]} : vector<1000x512xf32> to vector<1000x128xf32>
    %slice3A_189 = vector.extract_strided_slice %mul3A_131 {offsets = [0, 256], sizes = [1000, 128], strides = [1, 1]} : vector<1000x512xf32> to vector<1000x128xf32>
    %mul3A_190 = arith.mulf %slice3A_188, %slice3A_189 : vector<1000x128xf32>
    %mul3A_191 = vector.broadcast %mul3A_187 : vector<1000x1xf32> to vector<1000x128xf32>
    %mul3A_192 = arith.mulf %mul3A_190, %mul3A_191 : vector<1000x128xf32>
    %slice3A_193 = vector.extract_strided_slice %mul3A_133 {offsets = [0, 384], sizes = [1000, 128], strides = [1, 1]} : vector<1000x512xf32> to vector<1000x128xf32>
    %reduce_sum3A_194 = arith.constant dense<0.000000e+00> : vector<1000xf32>
    %reduce_sum3A_195 = vector.multi_reduction <add>, %slice3A_193, %reduce_sum3A_194 [1] : vector<1000x128xf32> to vector<1000xf32>
    %broadcast_in_dim3A_196 = vector.shape_cast %reduce_sum3A_195 : vector<1000xf32> to vector<1000x1xf32>
    %neg3A_197 = arith.constant 0.000000e+00 : f32
    %neg3A_198 = vector.broadcast %neg3A_197 : f32 to vector<1000x1xf32>
    %neg3A_199 = arith.subf %neg3A_198, %broadcast_in_dim3A_196 : vector<1000x1xf32>
    %exp3A_200 = math.exp %neg3A_199 : vector<1000x1xf32>
    %add3A_201 = arith.constant 1.000000e+00 : f32
    %add3A_202 = vector.broadcast %add3A_201 : f32 to vector<1000x1xf32>
    %add3A_203 = arith.addf %add3A_202, %exp3A_200 : vector<1000x1xf32>
    %div3A_204 = arith.constant 1.000000e+00 : f32
    %div3A_205 = vector.broadcast %div3A_204 : f32 to vector<1000x1xf32>
    %div3A_206 = arith.divf %div3A_205, %add3A_203 : vector<1000x1xf32>
    %mul3A_207 = arith.mulf %broadcast_in_dim3A_196, %div3A_206 : vector<1000x1xf32>
    %slice3A_208 = vector.extract_strided_slice %dot_general3A_67 {offsets = [0, 384], sizes = [1000, 128], strides = [1, 1]} : vector<1000x512xf32> to vector<1000x128xf32>
    %slice3A_209 = vector.extract_strided_slice %mul3A_131 {offsets = [0, 384], sizes = [1000, 128], strides = [1, 1]} : vector<1000x512xf32> to vector<1000x128xf32>
    %mul3A_210 = arith.mulf %slice3A_208, %slice3A_209 : vector<1000x128xf32>
    %mul3A_211 = vector.broadcast %mul3A_207 : vector<1000x1xf32> to vector<1000x128xf32>
    %mul3A_212 = arith.mulf %mul3A_210, %mul3A_211 : vector<1000x128xf32>
    %concatenate3A = tpu.concatenate %mul3A_152, %mul3A_172, %mul3A_192, %mul3A_212 in 1 : vector<1000x128xf32>, vector<1000x128xf32>, vector<1000x128xf32>, vector<1000x128xf32> -> vector<1000x512xf32>
    %get3A_213 = arith.constant 0 : index
    %get3A_214 = arith.constant 0 : index
    %get3A_215 = vector.load %arg14[%get3A_213, %get3A_214] : memref<512x384xf32, #tpu.memory_space<vmem>>, vector<512x384xf32>
    %dot_general3A_216 = arith.constant dense<0.000000e+00> : vector<1000x384xf32>
    %dot_general3A_217 = tpu.matmul %concatenate3A, %get3A_215, %dot_general3A_216 {dimension_numbers = #tpu.dot_dimension_numbers<[1], [0], [0], [1], [0, 0, 1, 1], [], []>, transpose_lhs_hint = false} : vector<1000x512xf32>, vector<512x384xf32>, vector<1000x384xf32> -> vector<1000x384xf32>
    %get3A_218 = arith.constant 0 : index
    %get3A_219 = arith.constant 0 : index
    %get3A_220 = vector.load %arg15[%get3A_218, %get3A_219] : memref<1x384xf32, #tpu.memory_space<vmem>>, vector<1x384xf32>
    %add3A_221 = vector.broadcast %get3A_220 : vector<1x384xf32> to vector<1000x384xf32>
    %add3A_222 = arith.addf %dot_general3A_217, %add3A_221 : vector<1000x384xf32>
    %slice3A_223 = vector.extract_strided_slice %add3A_222 {offsets = [0, 0], sizes = [1000, 128], strides = [1, 1]} : vector<1000x384xf32> to vector<1000x128xf32>
    %slice3A_224 = vector.extract_strided_slice %add3A_222 {offsets = [0, 128], sizes = [1000, 128], strides = [1, 1]} : vector<1000x384xf32> to vector<1000x128xf32>
    %slice3A_225 = vector.extract_strided_slice %add3A_222 {offsets = [0, 256], sizes = [1000, 128], strides = [1, 1]} : vector<1000x384xf32> to vector<1000x128xf32>
    %iota3A_226 = tpu.iota {dimensions = array<i32: 1>} : vector<128x384xi32>
    %iota3A_227 = tpu.iota {dimensions = array<i32: 0>} : vector<128x384xi32>
    %jit3A = arith.constant 3 : i32
    %div3A_228 = vector.broadcast %jit3A : i32 to vector<128x384xi32>
    %div3A_229 = arith.divsi %iota3A_226, %div3A_228 : vector<128x384xi32>
    %sign3A = arith.constant 0 : i32
    %sign3A_230 = vector.broadcast %sign3A : i32 to vector<128x384xi32>
    %sign3A_231 = arith.cmpi sgt, %iota3A_226, %sign3A_230 : vector<128x384xi32>
    %sign3A_232 = arith.extui %sign3A_231 : vector<128x384xi1> to vector<128x384xi32>
    %sign3A_233 = arith.constant 0 : i32
    %sign3A_234 = vector.broadcast %sign3A_233 : i32 to vector<128x384xi32>
    %sign3A_235 = arith.cmpi slt, %iota3A_226, %sign3A_234 : vector<128x384xi32>
    %sign3A_236 = arith.extui %sign3A_235 : vector<128x384xi1> to vector<128x384xi32>
    %sign3A_237 = arith.subi %sign3A_232, %sign3A_236 : vector<128x384xi32>
    %sign3A_238 = arith.constant 0 : i32
    %sign3A_239 = arith.cmpi sgt, %jit3A, %sign3A_238 : i32
    %sign3A_240 = arith.extui %sign3A_239 : i1 to i32
    %sign3A_241 = arith.constant 0 : i32
    %sign3A_242 = arith.cmpi slt, %jit3A, %sign3A_241 : i32
    %sign3A_243 = arith.extui %sign3A_242 : i1 to i32
    %sign3A_244 = arith.subi %sign3A_240, %sign3A_243 : i32
    %ne3A = vector.broadcast %sign3A_244 : i32 to vector<128x384xi32>
    %ne3A_245 = arith.cmpi ne, %sign3A_237, %ne3A : vector<128x384xi32>
    %rem3A = vector.broadcast %jit3A : i32 to vector<128x384xi32>
    %rem3A_246 = arith.remsi %iota3A_226, %rem3A : vector<128x384xi32>
    %ne3A_247 = arith.constant 0 : i32
    %ne3A_248 = vector.broadcast %ne3A_247 : i32 to vector<128x384xi32>
    %ne3A_249 = arith.cmpi ne, %rem3A_246, %ne3A_248 : vector<128x384xi32>
    %and3A = arith.andi %ne3A_245, %ne3A_249 : vector<128x384xi1>
    %sub3A_250 = arith.constant 1 : i32
    %sub3A_251 = vector.broadcast %sub3A_250 : i32 to vector<128x384xi32>
    %sub3A_252 = arith.subi %div3A_229, %sub3A_251 : vector<128x384xi32>
    %select_n3A = arith.select %and3A, %sub3A_252, %div3A_229 : vector<128x384xi1>, vector<128x384xi32>
    %eq3A = arith.cmpi eq, %select_n3A, %iota3A_227 : vector<128x384xi32>
    %convert_element_type3A_253 = arith.extui %eq3A : vector<128x384xi1> to vector<128x384xi32>
    %convert_element_type3A_254 = arith.sitofp %convert_element_type3A_253 : vector<128x384xi32> to vector<128x384xf32>
    %iota3A_255 = tpu.iota {dimensions = array<i32: 1>} : vector<3x384xi32>
    %iota3A_256 = tpu.iota {dimensions = array<i32: 0>} : vector<3x384xi32>
    %jit3A_257 = arith.constant 3 : i32
    %eq3A_258 = arith.constant 0 : i32
    %eq3A_259 = arith.cmpi eq, %jit3A_257, %eq3A_258 : i32
    %jit3A_260 = arith.constant 1 : i32
    %select_n3A_261 = arith.select %eq3A_259, %jit3A_260, %jit3A_257 : i32
    %rem3A_262 = vector.broadcast %select_n3A_261 : i32 to vector<3x384xi32>
    %rem3A_263 = arith.remsi %iota3A_255, %rem3A_262 : vector<3x384xi32>
    %ne3A_264 = arith.constant 0 : i32
    %ne3A_265 = vector.broadcast %ne3A_264 : i32 to vector<3x384xi32>
    %ne3A_266 = arith.cmpi ne, %rem3A_263, %ne3A_265 : vector<3x384xi32>
    %lt3A = arith.constant 0 : i32
    %lt3A_267 = vector.broadcast %lt3A : i32 to vector<3x384xi32>
    %lt3A_268 = arith.cmpi slt, %rem3A_263, %lt3A_267 : vector<3x384xi32>
    %lt3A_269 = arith.constant 0 : i32
    %lt3A_270 = arith.cmpi slt, %select_n3A_261, %lt3A_269 : i32
    %ne3A_271 = vector.broadcast %lt3A_270 : i1 to vector<3x384xi1>
    %ne3A_272 = vector.broadcast %ne3A_271 : vector<3x384xi1> to vector<3x384xi1>
    %ne3A_273 = arith.xori %lt3A_268, %ne3A_272 : vector<3x384xi1>
    %and3A_274 = arith.andi %ne3A_273, %ne3A_266 : vector<3x384xi1>
    %add3A_275 = vector.broadcast %select_n3A_261 : i32 to vector<3x384xi32>
    %add3A_276 = arith.addi %rem3A_263, %add3A_275 : vector<3x384xi32>
    %select_n3A_277 = arith.select %and3A_274, %add3A_276, %rem3A_263 : vector<3x384xi1>, vector<3x384xi32>
    %eq3A_278 = arith.cmpi eq, %select_n3A_277, %iota3A_256 : vector<3x384xi32>
    %convert_element_type3A_279 = arith.extui %eq3A_278 : vector<3x384xi1> to vector<3x384xi32>
    %convert_element_type3A_280 = arith.sitofp %convert_element_type3A_279 : vector<3x384xi32> to vector<3x384xf32>
    %dot_general3A_281 = arith.constant dense<0.000000e+00> : vector<1000x384xf32>
    %dot_general3A_282 = tpu.matmul %slice3A_223, %convert_element_type3A_254, %dot_general3A_281 {dimension_numbers = #tpu.dot_dimension_numbers<[1], [0], [0], [1], [0, 0, 1, 1], [], []>, transpose_lhs_hint = false} : vector<1000x128xf32>, vector<128x384xf32>, vector<1000x384xf32> -> vector<1000x384xf32>
    %dot_general3A_283 = arith.constant dense<0.000000e+00> : vector<1000x384xf32>
    %dot_general3A_284 = tpu.matmul %slice3A_225, %convert_element_type3A_254, %dot_general3A_283 {dimension_numbers = #tpu.dot_dimension_numbers<[1], [0], [0], [1], [0, 0, 1, 1], [], []>, transpose_lhs_hint = false} : vector<1000x128xf32>, vector<128x384xf32>, vector<1000x384xf32> -> vector<1000x384xf32>
    %dot_general3A_285 = arith.constant dense<0.000000e+00> : vector<1000x384xf32>
    %dot_general3A_286 = tpu.matmul %div3A_80, %convert_element_type3A_280, %dot_general3A_285 {dimension_numbers = #tpu.dot_dimension_numbers<[1], [0], [0], [1], [0, 0, 1, 1], [], []>, transpose_lhs_hint = false} : vector<1000x3xf32>, vector<3x384xf32>, vector<1000x384xf32> -> vector<1000x384xf32>
    %mul3A_287 = arith.mulf %dot_general3A_284, %dot_general3A_286 : vector<1000x384xf32>
    %get3A_288 = arith.constant 0 : index
    %get3A_289 = arith.constant 0 : index
    %get3A_290 = vector.load %arg3[%get3A_288, %get3A_289] : memref<1000x384xf32, #tpu.memory_space<vmem>>, vector<1000x384xf32>
    %mul3A_291 = arith.mulf %dot_general3A_282, %get3A_290 : vector<1000x384xf32>
    %add3A_292 = arith.addf %mul3A_287, %mul3A_291 : vector<1000x384xf32>
    %concatenate3A_293 = tpu.concatenate %slice3A_224, %add3A_292 in 1 : vector<1000x128xf32>, vector<1000x384xf32> -> vector<1000x512xf32>
    %swap3A = arith.constant 0 : index
    %swap3A_294 = arith.constant 0 : index
    %swap3A_295 = vector.load %arg16[%swap3A, %swap3A_294] : memref<1000x512xf32, #tpu.memory_space<vmem>>, vector<1000x512xf32>
    tpu.vector_store %arg16[%swap3A, %swap3A_294], %concatenate3A_293 {strides = array<i32>} : memref<1000x512xf32, #tpu.memory_space<vmem>>, vector<1000x512xf32>,
    return
  }
  func.func @transform_0(%arg0: i32) -> (i32, i32) {
    %c0_i32 = arith.constant 0 : i32
    %c0_i32_0 = arith.constant 0 : i32
    return %arg0, %c0_i32 : i32, i32
  }
  func.func @transform_1(%arg0: i32) -> (i32, i32) {
    %c0_i32 = arith.constant 0 : i32
    %c0_i32_0 = arith.constant 0 : i32
    return %arg0, %c0_i32 : i32, i32
  }
  func.func @transform_2(%arg0: i32) -> (i32, i32) {
    %c0_i32 = arith.constant 0 : i32
    %c0_i32_0 = arith.constant 0 : i32
    return %arg0, %c0_i32 : i32, i32
  }
  func.func @transform_3(%arg0: i32) -> (i32, i32) {
    %c0_i32 = arith.constant 0 : i32
    %c0_i32_0 = arith.constant 0 : i32
    return %arg0, %c0_i32 : i32, i32
  }
  func.func @transform_4(%arg0: i32) -> (i32, i32) {
    %c0_i32 = arith.constant 0 : i32
    %c0_i32_0 = arith.constant 0 : i32
    %c0_i32_1 = arith.constant 0 : i32
    return %c0_i32, %c0_i32_0 : i32, i32
  }
  func.func @transform_5(%arg0: i32) -> (i32, i32) {
    %c0_i32 = arith.constant 0 : i32
    %c0_i32_0 = arith.constant 0 : i32
    %c0_i32_1 = arith.constant 0 : i32
    return %c0_i32, %c0_i32_0 : i32, i32
  }
  func.func @transform_6(%arg0: i32) -> (i32, i32) {
    %c0_i32 = arith.constant 0 : i32
    %c0_i32_0 = arith.constant 0 : i32
    %c0_i32_1 = arith.constant 0 : i32
    return %c0_i32, %c0_i32_0 : i32, i32
  }
  func.func @transform_7(%arg0: i32) -> (i32, i32) {
    %c0_i32 = arith.constant 0 : i32
    %c0_i32_0 = arith.constant 0 : i32
    %c0_i32_1 = arith.constant 0 : i32
    return %c0_i32, %c0_i32_0 : i32, i32
  }
  func.func @transform_8(%arg0: i32) -> (i32, i32) {
    %c0_i32 = arith.constant 0 : i32
    %c0_i32_0 = arith.constant 0 : i32
    %c0_i32_1 = arith.constant 0 : i32
    return %c0_i32, %c0_i32_0 : i32, i32
  }
  func.func @transform_9(%arg0: i32) -> (i32, i32) {
    %c0_i32 = arith.constant 0 : i32
    %c0_i32_0 = arith.constant 0 : i32
    %c0_i32_1 = arith.constant 0 : i32
    return %c0_i32, %c0_i32_0 : i32, i32
  }
  func.func @transform_10(%arg0: i32) -> (i32, i32) {
    %c0_i32 = arith.constant 0 : i32
    %c0_i32_0 = arith.constant 0 : i32
    %c0_i32_1 = arith.constant 0 : i32
    return %c0_i32, %c0_i32_0 : i32, i32
  }
  func.func @transform_11(%arg0: i32) -> (i32, i32) {
    %c0_i32 = arith.constant 0 : i32
    %c0_i32_0 = arith.constant 0 : i32
    %c0_i32_1 = arith.constant 0 : i32
    return %c0_i32, %c0_i32_0 : i32, i32
  }
  func.func @transform_12(%arg0: i32) -> (i32, i32) {
    %c0_i32 = arith.constant 0 : i32
    %c0_i32_0 = arith.constant 0 : i32
    %c0_i32_1 = arith.constant 0 : i32
    return %c0_i32, %c0_i32_0 : i32, i32
  }
  func.func @transform_13(%arg0: i32) -> (i32, i32) {
    %c0_i32 = arith.constant 0 : i32
    %c0_i32_0 = arith.constant 0 : i32
    %c0_i32_1 = arith.constant 0 : i32
    return %c0_i32, %c0_i32_0 : i32, i32
  }
  func.func @transform_14(%arg0: i32) -> (i32, i32) {
    %c0_i32 = arith.constant 0 : i32
    %c0_i32_0 = arith.constant 0 : i32
    %c0_i32_1 = arith.constant 0 : i32
    return %c0_i32, %c0_i32_0 : i32, i32
  }
  func.func @transform_15(%arg0: i32) -> (i32, i32) {
    %c0_i32 = arith.constant 0 : i32
    %c0_i32_0 = arith.constant 0 : i32
    return %arg0, %c0_i32 : i32, i32
  }
}

</mosaic_0001>

<sc_bundles>
// kernel: kernel.5.cloned.1.call-start
scs
__scs_entry_jumppad:
0x0: {  	(pc) =	sbr.rel $0x88, $3  }
0x1: {  	(tag) =	ssettag $0x0;
	lr =	simm.s32 $0x1  }
0x2: {  	[smem:$0x3F92] =	sst lr;
	_ =	strace $0xD0000000  }
0x3: {  	_ = 	snop  }
0x4: {  	_ = 	snop  }
0x5: {  	_ = 	snop  }
0x6: {  	_ = 	snop  }
0x7: {  	_ = 	snop  }
__scs_overlays_trampoline_lowered:
0x8: {  	[smem:$0x3FA1] =	sst s0  }
0x9: {  	[smem:$0x3FA2] =	sst s1  }
0xa: {  	[smem:$0x3FA3] =	sst s2  }
0xb: {  	[smem:$0x3FA4] =	sst s3  }
0xc: {  	[smem:$0x3FA5] =	sst s4  }
0xd: {  	[smem:$0x3FA6] =	sst s5  }
0xe: {  	[smem:$0x3FA7] =	sst s6  }
0xf: {  	[smem:$0x3FA8] =	sst s7  }
0x10: {  	[smem:$0x3FA9] =	sst s8  }
0x11: {  	[smem:$0x3FAA] =	sst s9;
	s0 =	simm.s32 @!p0 $0x0  }
0x12: {  	s1 =	sld [smem:$0x3F90];
	s0 =	simm.s32 @p0 $0x1  }
0x13: {  	[smem:$0x3FAB] =	sst s0;
	s0 =	simm.s32 @!p1 $0x0  }
0x14: {  	s2 =	sld [smem:$0x3F8F];
	s0 =	simm.s32 @p1 $0x1  }
0x15: {  	[smem:$0x3FAC] =	sst s0;
	s0 =	simm.s32 @!p2 $0x0  }
0x16: {  	s3 =	sld [smem:$0x3FDB];
	s0 =	simm.s32 @p2 $0x1  }
0x17: {  	s4 =	simm.s32 $0x1BF5;
	[smem:$0x3FAE] =	sst s0  }
0x18: {  	s0 =	sld [smem:$0x3F91];
	_ =	swait.ge [sflag:s4], $0x0  }
0x19: {  	s7 =	sld [smem:$0x3F92]  }
0x1a: {  	s8 =	sadd.s32 $0xFFFFE003, lr  }
0x1b: {  	s9 =	sadd.s32 $0xFFFFFEF7, lr;
	s5 =	simm.s32 $0xFFFFFFFF;
	p2 =	slt.u32 s8, $0xFFFFF086  }
0x1c: {  	p1 =	slt.u32 s9, $0xF7A;
	s5 =	simm.s32 @!p2 $0x0  }
0x1d: {  	s5 =	simm.s32 @p1 $0x1;
	p0 =	seq.s32 s7, s2  }
0x1e: {  	s7 =	smul.u32 @!p0 $0xF7A, s2;
	p2 =	seq.s32 @!p0 s5, $0x0  }
0x1f: {  	s9 =	smul.u32 $0xF7A, s1;
	s8 =	simm.s32 @!p0 $0x1BF5;
	p2 =	por !p2, p0  }
0x20: {  	[sflag:s8] =	ssyncset.s32 @!p0 $0xFFFFF086;
	s6 =	sadd.s32 @!p0 s3, s7;
	s7 =	simm.s32 @!p0 $0x108  }
0x21: {  	s3 =	sadd.s32 s3, s9;
	s6 =	sadd.s32 @!p0 $0x88, s6;
	s7 =	simm.s32 @p2 $0x1082  }
0x22: {  	[simem:s7], [sflag:s8] =	dma.local @!p0 [hbm:s6], $0xF7A  }
0x23: {  	s9 =	sor.u32 $0xD0000000, s2;
	s6 =	simm.s32 $0x108;
	_ =	swait.ge @!p0 [sflag:s8], $0x0  }
0x24: {  	s3 =	sadd.s32 $0x88, s3;
	s6 =	simm.s32 @!p1 $0x1082;
	[sflag:s4] =	ssyncset.s32 $0xFFFFF086  }
0x25: {  	[simem:s6], [sflag:s4] =	dma.local [hbm:s3], $0xF7A  }
0x26: {  	[smem:$0x3F92] =	sst s1;
	(tag) =	ssettag s2;
	_ =	strace s9  }
0x27: {  	s1 =	sld [smem:$0x3FA2]  }
0x28: {  	s2 =	sld [smem:$0x3FA3]  }
0x29: {  	s4 =	sld [smem:$0x3FA5]  }
0x2a: {  	p0 =	seq.s32 s5, $0x0;
	s5 =	sld [smem:$0x3FA6]  }
0x2b: {  	s6 =	sld [smem:$0x3FA7]  }
0x2c: {  	s7 =	sld [smem:$0x3FA8]  }
0x2d: {  	s3 =	simm.s32 $0x108;
	s8 =	sld [smem:$0x3FA9]  }
0x2e: {  	s3 =	simm.s32 @!p0 $0x1082;
	s9 =	sld [smem:$0x3FAA]  }
0x2f: {  	lr =	sadd.s32 s0, s3;
	s0 =	sld [smem:$0x3FA1]  }
0x30: {  	s3 =	sld [smem:$0x3FA4]  }
0x31: {  	[smem:$0x3FAD] =	sst s10  }
0x32: {  	s10 =	sld [smem:$0x3FAB];
	_ =	sdelay $0x3  }
0x33: {  	p0 =	seq.s32 s10, $0x1;
	s10 =	sld [smem:$0x3FAD];
	_ =	sdelay $0x3  }
0x34: {  	[smem:$0x3FAD] =	sst s10  }
0x35: {  	s10 =	sld [smem:$0x3FAC];
	_ =	sdelay $0x3  }
0x36: {  	p1 =	seq.s32 s10, $0x1;
	s10 =	sld [smem:$0x3FAD];
	_ =	sdelay $0x3  }
0x37: {  	[smem:$0x3FAD] =	sst s10  }
0x38: {  	s10 =	sld [smem:$0x3FAE]  }
0x39: {  	_ = 	snop;
	(pc) =	sbr.ind lr, $3  }
0x3a: {  	_ = 	snop  }
0x3b: {  	_ = 	snop  }
0x3c: {  	p2 =	seq.s32 s10, $0x1;
	s10 =	sld [smem:$0x3FAD]  }
0x3d: {  	_ =	shalt  }
0x3e: {  	_ =	shalt  }
0x3f: {  	_ =	shalt  }
0x40: {  	_ =	shalt  }
0x41: {  	_ =	shalt  }
0x42: {  	_ =	shalt  }
0x43: {  	_ =	shalt  }
0x44: {  	_ =	shalt  }
0x45: {  	_ =	shalt  }
0x46: {  	_ =	shalt  }
0x47: {  	_ =	shalt  }
0x48: {  	_ =	shalt  }
0x49: {  	_ =	shalt  }
0x4a: {  	_ =	shalt  }
0x4b: {  	_ =	shalt  }
0x4c: {  	_ =	shalt  }
0x4d: {  	_ =	shalt  }
0x4e: {  	_ =	shalt  }
0x4f: {  	_ =	shalt  }
0x50: {  	_ =	shalt  }
0x51: {  	_ =	shalt  }
0x52: {  	_ =	shalt  }
0x53: {  	_ =	shalt  }
0x54: {  	_ =	shalt  }
0x55: {  	_ =	shalt  }
0x56: {  	_ =	shalt  }
0x57: {  	_ =	shalt  }
0x58: {  	_ =	shalt  }
0x59: {  	_ =	shalt  }
0x5a: {  	_ =	shalt  }
0x5b: {  	_ =	shalt  }
0x5c: {  	_ =	shalt  }
0x5d: {  	_ =	shalt  }
0x5e: {  	_ =	shalt  }
0x5f: {  	_ =	shalt  }
0x60: {  	_ =	shalt  }
0x61: {  	_ =	shalt  }
0x62: {  	_ =	shalt  }
0x63: {  	_ =	shalt  }
0x64: {  	_ =	shalt  }
0x65: {  	_ =	shalt  }
0x66: {  	_ =	shalt  }
0x67: {  	_ =	shalt  }
0x68: {  	_ =	shalt  }
0x69: {  	_ =	shalt  }
0x6a: {  	_ =	shalt  }
0x6b: {  	_ =	shalt  }
0x6c: {  	_ =	shalt  }
0x6d: {  	_ =	shalt  }
0x6e: {  	_ =	shalt  }
0x6f: {  	_ =	shalt  }
0x70: {  	_ =	shalt  }
0x71: {  	_ =	shalt  }
0x72: {  	_ =	shalt  }
0x73: {  	_ =	shalt  }
0x74: {  	_ =	shalt  }
0x75: {  	_ =	shalt  }
0x76: {  	_ =	shalt  }
0x77: {  	_ =	shalt  }
0x78: {  	_ =	shalt  }
0x79: {  	_ =	shalt  }
0x7a: {  	_ =	shalt  }
0x7b: {  	_ =	shalt  }
0x7c: {  	_ =	shalt  }
0x7d: {  	_ =	shalt  }
0x7e: {  	_ =	shalt  }
0x7f: {  	_ =	shalt  }
0x80: {  	_ =	shalt  }
0x81: {  	_ =	shalt  }
0x82: {  	_ =	shalt  }
0x83: {  	_ =	shalt  }
0x84: {  	_ =	shalt  }
0x85: {  	_ =	shalt  }
0x86: {  	_ =	shalt  }
0x87: {  	_ =	shalt  }
.Lfunc_end0:
.L_simem_size_0:
called_computation_lowered:
.L_overlay_start_0:
0x88: {  	s2 =	sld [smem:$0x3FD9]  }
0x89: {  	s3 =	sld [smem:$0x3FFE];
	_ =	sdelay $0x1  }
0x8a: {  	s1 =	srdreg.scid  }
0x8b: {  	s0 =	sand.u32 $0x1, s1  }
0x8c: {  	s14 =	sshll.u32 s0, $0xA;
	s2 =	sadd.s32 s3, s2  }
0x8d: {  	s2 =	sadd.s32 s2, s14  }
0x8e: {  	[smem:$0x3FB9] =	sst s2  }
0x8f: {  	_ = 	snop  }
0x90: {  	s2 =	sld [smem:$0x3FD0];
	_ =	sdelay $0x2  }
0x91: {  	s4 =	simm.s32 $0xA;
	s5 =	simm.s32 $0x10;
	s15 =	sld [smem:$0x3FC9]  }
0x92: {  	[smem:s5], [sflag:s4] =	dma.local [hbm:s2], $0x1  }
0x93: {  	_ =	swait.eq [sflag:s4], $0x1  }
0x94: {  	[sflag:s4] =	ssyncset.done $0x0  }
0x95: {  	s16 =	sld [smem:$0x10];
	[sflag:s4] =	ssyncadd.s32 $0xFFFFFFFF  }
0x96: {  	s17 =	sld [smem:$0x11];
	(tm) =	ssettm $0x1  }
0x97: {  	s18 =	sld [smem:$0x3FFB];
	_ =	sdelay $0x3  }
0x98: {  	_ =	strace s18  }
0x99: {  	s5 =	sld [smem:$0x3FFC];
	_ =	sdelay $0x3  }
0x9a: {  	_ =	strace s5  }
0x9b: {  	s5 =	sld [smem:$0x3FFD];
	_ =	sdelay $0x3  }
0x9c: {  	_ =	strace s5  }
0x9d: {  	_ =	strace $0x8FFFFFFF  }
0x9e: {  	s19 =	sld [smem:$0x3FDB];
	_ =	sdelay $0x1  }
0x9f: {  	s6 =	simm.s32 $_scs_section_size  }
0xa0: {  	s7 =	simm.s32 $_size__tile_overlayer_lowered;
	s8 =	simm.s32 $_tile_overlayer_lowered  }
0xa1: {  	s22 =	simm.s32 $0x1BFF;
	s21 =	sshll.u32 s8, $0x1;
	s5 =	sadd.s32 s6, s19  }
0xa2: {  	s9 =	simm.s32 $0x0;
	s20 =	sshll.u32 s7, $0x1;
	s7 =	sadd.s32 s21, s5  }
0xa3: {  	[timem:s9], [sflag:s22] =	dma.local [hbm:s7], s20  }
0xa4: {  	_ =	swait.ge [sflag:s22], s20  }
0xa5: {  	s6 =	ssub.s32 $0x0, s20;
	[sflag:s22] =	ssyncset.done $0x0  }
0xa6: {  	[sflag:s22] =	ssyncadd.s32 s6;
	_ =	sdelay $0x1  }
0xa7: {  	s23 =	simm.s32 $0x1B8B  }
0xa8: {  	_ =	swait.ge [sflag:s23], $0x1  }
0xa9: {  	[sflag:s23] =	ssyncset.done $0x0  }
0xaa: {  	s25 =	simm.s32 $0x1B8E;
	s24 =	sld [smem:$0x3FFE];
	[sflag:s23] =	ssyncadd.s32 $0xFFFFFFFF  }
0xab: {  	s26 =	simm.s32 $execute0_lowered;
	[smem:$0x3FD2] =	sst s25  }
0xac: {  	s7 =	sshll.u32 s26, $0x1;
	_ =	strace $0x80000046;
	[dreg:$0x1] =	wrdreg $0xFFFFFFFF  }
0xad: {  	s28 =	simm.s32 $_size_execute0_lowered;
	s5 =	sadd.s32 s5, s7;
	[dreg:$0x0] =	wrdreg $0x0  }
0xae: {  	s7 =	sshll.u32 s28, $0x1;
	[dreg:$0x2] =	wrdreg s5  }
0xaf: {  	[dreg:$0x3] =	wrdreg s7  }
0xb0: {  	[dreg:$0x4] =	wrdreg $0xC0  }
0xb1: {  	_ =	task [dreg:s9], $0x5FFFF  }
0xb2: {  	[dreg:$0x1] =	wrdreg $0xFFFFFFFF  }
0xb3: {  	[dreg:$0x0] =	wrdreg $0x60  }
0xb4: {  	[dreg:$0x2] =	wrdreg s15  }
0xb5: {  	[dreg:$0x3] =	wrdreg s17  }
0xb6: {  	[dreg:$0x4] =	wrdreg s24  }
0xb7: {  	[dreg:$0x5] =	wrdreg s16  }
0xb8: {  	[dreg:$0x6] =	wrdreg $0x9  }
0xb9: {  	_ =	task.clear_ibuf [dreg:s9], $0x7FFFF;
	_ =	strace $0x90000046  }
0xba: {  	s29 =	simm.s32 $0x9;
	_ =	strace $0x80000048  }
0xbb: {  	_ =	swait.ge [sflag:s29], $0x1  }
0xbc: {  	[sflag:s29] =	ssyncadd.s32 $0xFFFFFFFF  }
0xbd: {  	_ =	strace $0x90000048  }
0xbe: {  	_ =	sfence  }
0xbf: {  	s30 =	sld [smem:$0x0];
	_ =	sdelay $0x2  }
0xc0: {  	s31 =	sshll.u32 s1, $0xD;
	s1 =	sshrl.u32 s1, $0x2  }
0xc1: {  	s3 =	sand.u32 $0x4000, s31;
	s1 =	sadd.s32 s1, s30  }
0xc2: {  	s0 =	sor.u32 s3, s0;
	s1 =	sshll.u32 s1, $0x11  }
0xc3: {  	s0 =	sor.u32 s1, s0  }
0xc4: {  	s0 =	sadd.s32 $0x8F2B, s0  }
0xc5: {  	[sflag:s0] =	ssyncadd.remote.s32 $0x1  }
0xc6: {  	_ =	sfence.sel $0xFFFF  }
0xc7: {  	[dreg:$0x0] =	wrdreg $0xFFFFFFFF;
	(pc) =	sbr.abs _section_cstart, $3  }
0xc8: {  	[dreg:$0x1] =	wrdreg $0xFFFFFFFF  }
0xc9: {  	_ =	task.clear_ibuf [dreg:s9], $0x2FFFF;
	_ =	strace $0x9FFFFFFF  }
0xca: {  	(tm) =	ssettm $0x7FFFFFFF  }
0xcb: {  	_ =	shalt  }
tec
execute0_lowered:
.L_overlay_start_1:
0x0: {  	(tag) =	ssettag $0x1  }
0x1: {  	s1 =	rddreg [dreg:$0x0]  }
0x2: {  	s2 =	rddreg [dreg:$0x1]  }
0x3: {  	s0 =	rddreg [dreg:$0x2]  }
0x4: {  	s3 =	rddreg [dreg:$0x3];
	s4 =	simm.s32 $0x0  }
0x5: {  	s5 =	srdreg.scid;
	s15 =	stileid.u32;
	s26 =	simm.s32 $0x8900  }
0x6: {  	s16 =	simm.s32 $0x8D00;
	s17 =	simm.s32 $0x9500;
	s18 =	simm.s32 $0x9900  }
0x7: {  	s20 =	simm.s32 $0xA100;
	s28 =	simm.s32 $0x13100;
	s29 =	simm.s32 $0x13500  }
0x8: {  	s30 =	simm.s32 $0x13D00;
	s31 =	simm.s32 $0x1;
	[smem:$0x7FF] =	sst s4  }
0x9: {  	s6 =	sand.u32 $0x1, s5;
	s21 =	smul.u32 $0x2710, s15;
	s7 =	sadd.s32 $0x2400, s0  }
0xa: {  	s8 =	sadd.s32 $0x7400, s0;
	_ =	strace $0x80000047;
	[dreg:$0x7] =	wrdreg s26  }
0xb: {  	s10 =	sadd.s32 $0x278400, s0;
	s0 =	sadd.s32 $0x4E9400, s0;
	[dreg:$0x8] =	wrdreg s16  }
0xc: {  	s12 =	sshll.u32 s15, $0x1;
	s9 =	smul.u32 $0x1388, s6;
	[dreg:$0x9] =	wrdreg s17  }
0xd: {  	s11 =	ssub.s32 $0x2, s6;
	s12 =	sor.u32 s6, s12;
	[dreg:$0xa] =	wrdreg s18  }
0xe: {  	[dreg:$0xb] =	wrdreg s20;
	s26 =	simm.s32 $0xB900;
	s6 =	smul.u32 $0x13880, s6  }
0xf: {  	s16 =	simm.s32 $0xC900;
	s17 =	simm.s32 $0xD100;
	[dreg:$0xf] =	wrdreg s26  }
0x10: {  	s18 =	simm.s32 $0xD500;
	s22 =	sshrl.u32 s11, $0x1;
	[dreg:$0x12] =	wrdreg s16  }
0x11: {  	s23 =	smul.u32 $0x1388, s12;
	s12 =	simm.s32 $0xBD00;
	[dreg:$0x13] =	wrdreg s17  }
0x12: {  	[dreg:$0x14] =	wrdreg s18;
	s16 =	simm.s32 $0x80;
	s17 =	simm.s32 $0x100  }
0x13: {  	s26 =	simm.s32 $0x10100;
	s18 =	simm.s32 $0x4100;
	s5 =	sadd.s32 s9, s21  }
0x14: {  	s9 =	ssub.s32 s11, s22;
	s21 =	simm.s32 $0xA500;
	[dreg:$0x10] =	wrdreg s12  }
0x15: {  	[dreg:$0x1b] =	wrdreg s26;
	s26 =	simm.s32 $0x12900;
	s12 =	simm.s32 $0x0  }
0x16: {  	s11 =	sadd.s32 $0x1380, s23;
	[dreg:$0xc] =	wrdreg s21;
	s23 =	simm.s32 $0xAD00  }
0x17: {  	s13 =	sshrl.u32 s5, $0x3;
	s21 =	simm.s32 $0xE100;
	[dreg:$0xd] =	wrdreg s23  }
0x18: {  	s5 =	sadd.s32 $0x100, s2;
	s24 =	sadd.s32 s13, s3;
	[dreg:$0x16] =	wrdreg s21  }
0x19: {  	s25 =	sadd.s32 s13, s7;
	s14 =	sshrl.u32 s11, $0x3;
	[dreg:$0x5] =	wrdreg s24  }
0x1a: {  	s19 =	sshll.u32 s11, $0x4;
	s23 =	simm.s32 $0xED00;
	[dreg:$0x6] =	wrdreg s25  }
0x1b: {  	s20 =	smul.u32 $0x180, s13;
	s7 =	sadd.s32 s7, s14;
	[dreg:$0x18] =	wrdreg s23  }
0x1c: {  	s21 =	simm.s32 $0x10D00;
	s3 =	sadd.s32 s3, s14;
	[dreg:$0x1c] =	wrdreg s7  }
0x1d: {  	s11 =	sadd.s32 s8, s19;
	s22 =	smul.u32 $0x180, s14;
	[dreg:$0x1d] =	wrdreg s3  }
0x1e: {  	s24 =	simm.s32 $0xB100;
	s14 =	smul.u32 $0x27100, s15;
	[dreg:$0x1e] =	wrdreg s11  }
0x1f: {  	s15 =	simm.s32 $0xC500;
	s23 =	simm.s32 $0x11900;
	[dreg:$0xe] =	wrdreg s24  }
0x20: {  	s7 =	sadd.s32 s10, s19;
	s11 =	smax.u32 s9, $0x1;
	[dreg:$0x11] =	wrdreg s15  }
0x21: {  	s19 =	simm.s32 $0xDD00;
	s15 =	simm.s32 $0x4;
	[dreg:$0x1f] =	wrdreg s7  }
0x22: {  	s24 =	simm.s32 $0xF500;
	s3 =	simm.s32 $0x3;
	[smem:$0x7FA] =	sst s11  }
0x23: {  	s25 =	sadd.s32 s0, s22;
	s8 =	sadd.s32 s14, s8;
	[dreg:$0x15] =	wrdreg s19  }
0x24: {  	s7 =	sadd.s32 s14, s10;
	s22 =	simm.s32 $0xE900;
	[dreg:$0x19] =	wrdreg s24  }
0x25: {  	s0 =	sadd.s32 s20, s0;
	s19 =	simm.s32 $0x8100;
	[smem:$0x7F9] =	sst s25  }
0x26: {  	s20 =	simm.s32 $0x10500;
	s24 =	simm.s32 $0x11D00;
	[smem:$0x7FD] =	sst s0  }
0x27: {  	s10 =	simm.s32 $0x14600;
	s8 =	sadd.s32 s6, s8;
	[dreg:$0x17] =	wrdreg s22  }
0x28: {  	v2 =	vlaneseq.u32;
	s11 =	simm.s32 $0x14A00;
	s6 =	sadd.s32 s6, s7;
	[smem:$0x7FB] =	sst s8  }
0x29: {  	vm0 =	vmmov $0xffff;
	vm1 =	vmmov $0xff;
	v1 =	vshrl.u32 v2, $0x3;
	s25 =	simm.s32 $0xF900;
	s22 =	simm.s32 $0x11100;
	[smem:$0x7FC] =	sst s6  }
0x2a: {  	v0 =	vand.u32 $0x7, v2;
	v2 =	vor.u32 $0x8, v2;
	v1 =	vmul.u32 $0x8, v1;
	s0 =	simm.s32 $0x2;
	[dreg:$0x1a] =	wrdreg s25;
	s25 =	simm.s32 $0x12500  }
.LBB2_1:
0x2b: {  	s14 =	sld [smem:$0x7FD]  }
0x2c: {  	s13 =	sld [smem:$0x7FC]  }
0x2d: {  	s6 =	sld [smem:$0x7FB];
	s7 =	simm.s32 $0x0  }
.LBB2_2:
0x2e: {  	s8 =	rddreg [dreg:$0x6]  }
0x2f: {  	s8 =	sadd.s32 s7, s8  }
0x30: {  	[tilespmem:s4], [sflag:$0x4] =	stream.linear.gather [hbm4b:s8+s4], $0x80, $0x38;
	[tilespmem:$0x15600] =	vst v63  }
0x31: {  	_ =	swait.ge [sflag:s15], $0x80  }
0x32: {  	s9 =	rddreg [dreg:$0x5];
	[sflag:s15] =	ssyncset.done $0x0  }
0x33: {  	[sflag:s15] =	ssyncadd.s32 $0xFFFFFF80;
	s8 =	sadd.s32 s7, s9  }
0x34: {  	[tilespmem:s16], [sflag:$0x4] =	stream.linear.gather [hbm4b:s8+s4], $0x80, $0x38;
	[tilespmem:$0x15600] =	vst v63  }
0x35: {  	_ =	swait.ge [sflag:s15], $0x80  }
0x36: {  	[sflag:s15] =	ssyncset.done $0x0  }
0x37: {  	[sflag:s15] =	ssyncadd.s32 $0xFFFFFF80  }
0x38: {  	[tilespmem:s17], [sflag:$0x1] =	stream.indirect.gather [hbm4b:s1+s16], $0x80, s4, s16, $0xb8;
	[tilespmem:$0x15600] =	vst v63  }
0x39: {  	_ = 	snop  }
0x3a: {  	[tilespmem:s18], [sflag:$0x2] =	stream.indirect.gather [hbm4b:s1+s16], $0x80, s16, s16, $0xb8;
	[tilespmem:$0x15600] =	vst v63  }
0x3b: {  	v3 =	vld [tilespmem:$0x80];
	_ =	sdelay $0x4  }
0x3c: {  	v4 =	vshrl.u32 v3, $0x3  }
0x3d: {  	v4 =	vmul.u32 $0x18, v4  }
0x3e: {  	v3 =	vand.u32 $0x7, v3  }
0x3f: {  	v3 =	vor.u32 v3, v4  }
0x40: {  	v4 =	vperm.xlane v3, v0;
	_ =	sdelay $0x1  }
0x41: {  	v4 =	vadd.s32 v1, v4;
	_ =	sdelay $0x1  }
0x42: {  	v3 =	vperm.xlane v3, v2;
	_ =	sdelay $0x1  }
0x43: {  	v3 =	vadd.s32 v1, v3  }
0x44: {  	[tilespmem:s19], [sflag:$0x3] =	stream.indirect_vreg.gather [hbm4b:s2+s4], $0x80, v4, vm0, $0xb8;
	[tilespmem:$0x15600] =	vst v63  }
0x45: {  	s8 =	rddreg [dreg:$0x7]  }
0x46: {  	[tilespmem:s8], [sflag:$0x3] =	stream.indirect_vreg.gather [hbm4b:s5+s4], $0x80, v4, vm1, $0xb8;
	[tilespmem:$0x15600] =	vst v63  }
0x47: {  	s9 =	rddreg [dreg:$0x8]  }
0x48: {  	[tilespmem:s9], [sflag:$0x3] =	stream.indirect_vreg.gather [hbm4b:s2+s4], $0x80, v3, vm0, $0xb8;
	[tilespmem:$0x15600] =	vst v63  }
0x49: {  	s8 =	rddreg [dreg:$0x9]  }
0x4a: {  	[tilespmem:s8], [sflag:$0x3] =	stream.indirect_vreg.gather [hbm4b:s5+s4], $0x80, v3, vm1, $0xb8;
	[tilespmem:$0x15600] =	vst v63  }
0x4b: {  	v3 =	vld [tilespmem:$0x90];
	_ =	sdelay $0x4  }
0x4c: {  	v57 =	vshrl.u32 v3, $0x3  }
0x4d: {  	v4 =	vmul.u32 $0x18, v57  }
0x4e: {  	v3 =	vand.u32 $0x7, v3  }
0x4f: {  	v3 =	vor.u32 v3, v4  }
0x50: {  	v4 =	vperm.xlane v3, v0;
	_ =	sdelay $0x1  }
0x51: {  	v4 =	vadd.s32 v1, v4;
	_ =	sdelay $0x1  }
0x52: {  	v3 =	vperm.xlane v3, v2;
	_ =	sdelay $0x1  }
0x53: {  	s8 =	rddreg [dreg:$0xa];
	v3 =	vadd.s32 v1, v3  }
0x54: {  	[tilespmem:s8], [sflag:$0x3] =	stream.indirect_vreg.gather [hbm4b:s2+s4], $0x80, v4, vm0, $0xb8;
	[tilespmem:$0x15600] =	vst v63  }
0x55: {  	s9 =	rddreg [dreg:$0xb]  }
0x56: {  	[tilespmem:s9], [sflag:$0x3] =	stream.indirect_vreg.gather [hbm4b:s5+s4], $0x80, v4, vm1, $0xb8;
	[tilespmem:$0x15600] =	vst v63  }
0x57: {  	s8 =	rddreg [dreg:$0xc]  }
0x58: {  	[tilespmem:s8], [sflag:$0x3] =	stream.indirect_vreg.gather [hbm4b:s2+s4], $0x80, v3, vm0, $0xb8;
	[tilespmem:$0x15600] =	vst v63  }
0x59: {  	s9 =	rddreg [dreg:$0xd]  }
0x5a: {  	[tilespmem:s9], [sflag:$0x3] =	stream.indirect_vreg.gather [hbm4b:s5+s4], $0x80, v3, vm1, $0xb8;
	[tilespmem:$0x15600] =	vst v63  }
0x5b: {  	v3 =	vld [tilespmem:$0xA0];
	_ =	sdelay $0x4  }
0x5c: {  	v58 =	vshrl.u32 v3, $0x3  }
0x5d: {  	v4 =	vmul.u32 $0x18, v58  }
0x5e: {  	v3 =	vand.u32 $0x7, v3  }
0x5f: {  	v3 =	vor.u32 v3, v4  }
0x60: {  	v4 =	vperm.xlane v3, v0;
	_ =	sdelay $0x1  }
0x61: {  	v4 =	vadd.s32 v1, v4;
	_ =	sdelay $0x1  }
0x62: {  	v3 =	vperm.xlane v3, v2;
	_ =	sdelay $0x1  }
0x63: {  	s8 =	rddreg [dreg:$0xe];
	v3 =	vadd.s32 v1, v3  }
0x64: {  	[tilespmem:s8], [sflag:$0x3] =	stream.indirect_vreg.gather [hbm4b:s2+s4], $0x80, v4, vm0, $0xb8;
	[tilespmem:$0x15600] =	vst v63  }
0x65: {  	s9 =	rddreg [dreg:$0xf]  }
0x66: {  	[tilespmem:s9], [sflag:$0x3] =	stream.indirect_vreg.gather [hbm4b:s5+s4], $0x80, v4, vm1, $0xb8;
	[tilespmem:$0x15600] =	vst v63  }
0x67: {  	s8 =	rddreg [dreg:$0x10]  }
0x68: {  	[tilespmem:s8], [sflag:$0x3] =	stream.indirect_vreg.gather [hbm4b:s2+s4], $0x80, v3, vm0, $0xb8;
	[tilespmem:$0x15600] =	vst v63  }
0x69: {  	s9 =	rddreg [dreg:$0x11]  }
0x6a: {  	[tilespmem:s9], [sflag:$0x3] =	stream.indirect_vreg.gather [hbm4b:s5+s4], $0x80, v3, vm1, $0xb8;
	[tilespmem:$0x15600] =	vst v63  }
0x6b: {  	v3 =	vld [tilespmem:$0xB0];
	_ =	sdelay $0x4  }
0x6c: {  	v59 =	vshrl.u32 v3, $0x3  }
0x6d: {  	v4 =	vmul.u32 $0x18, v59  }
0x6e: {  	v3 =	vand.u32 $0x7, v3  }
0x6f: {  	v3 =	vor.u32 v3, v4  }
0x70: {  	v4 =	vperm.xlane v3, v0;
	_ =	sdelay $0x1  }
0x71: {  	v4 =	vadd.s32 v1, v4;
	_ =	sdelay $0x1  }
0x72: {  	v3 =	vperm.xlane v3, v2;
	_ =	sdelay $0x1  }
0x73: {  	s8 =	rddreg [dreg:$0x12];
	v3 =	vadd.s32 v1, v3  }
0x74: {  	[tilespmem:s8], [sflag:$0x3] =	stream.indirect_vreg.gather [hbm4b:s2+s4], $0x80, v4, vm0, $0xb8;
	[tilespmem:$0x15600] =	vst v63  }
0x75: {  	s9 =	rddreg [dreg:$0x13]  }
0x76: {  	[tilespmem:s9], [sflag:$0x3] =	stream.indirect_vreg.gather [hbm4b:s5+s4], $0x80, v4, vm1, $0xb8;
	[tilespmem:$0x15600] =	vst v63  }
0x77: {  	s8 =	rddreg [dreg:$0x14]  }
0x78: {  	[tilespmem:s8], [sflag:$0x3] =	stream.indirect_vreg.gather [hbm4b:s2+s4], $0x80, v3, vm0, $0xb8;
	[tilespmem:$0x15600] =	vst v63  }
0x79: {  	s9 =	rddreg [dreg:$0x15]  }
0x7a: {  	[tilespmem:s9], [sflag:$0x3] =	stream.indirect_vreg.gather [hbm4b:s5+s4], $0x80, v3, vm1, $0xb8;
	[tilespmem:$0x15600] =	vst v63  }
0x7b: {  	v3 =	vld [tilespmem:$0xC0];
	_ =	sdelay $0x4  }
0x7c: {  	v60 =	vshrl.u32 v3, $0x3  }
0x7d: {  	v4 =	vmul.u32 $0x18, v60  }
0x7e: {  	v3 =	vand.u32 $0x7, v3  }
0x7f: {  	v3 =	vor.u32 v3, v4  }
0x80: {  	v4 =	vperm.xlane v3, v0;
	_ =	sdelay $0x1  }
0x81: {  	v4 =	vadd.s32 v1, v4;
	_ =	sdelay $0x1  }
0x82: {  	v3 =	vperm.xlane v3, v2;
	_ =	sdelay $0x1  }
0x83: {  	s8 =	rddreg [dreg:$0x16];
	v3 =	vadd.s32 v1, v3  }
0x84: {  	[tilespmem:s8], [sflag:$0x3] =	stream.indirect_vreg.gather [hbm4b:s2+s4], $0x80, v4, vm0, $0xb8;
	[tilespmem:$0x15600] =	vst v63  }
0x85: {  	s9 =	rddreg [dreg:$0x17]  }
0x86: {  	[tilespmem:s9], [sflag:$0x3] =	stream.indirect_vreg.gather [hbm4b:s5+s4], $0x80, v4, vm1, $0xb8;
	[tilespmem:$0x15600] =	vst v63  }
0x87: {  	s8 =	rddreg [dreg:$0x18]  }
0x88: {  	[tilespmem:s8], [sflag:$0x3] =	stream.indirect_vreg.gather [hbm4b:s2+s4], $0x80, v3, vm0, $0xb8;
	[tilespmem:$0x15600] =	vst v63  }
0x89: {  	s9 =	rddreg [dreg:$0x19]  }
0x8a: {  	[tilespmem:s9], [sflag:$0x3] =	stream.indirect_vreg.gather [hbm4b:s5+s4], $0x80, v3, vm1, $0xb8;
	[tilespmem:$0x15600] =	vst v63  }
0x8b: {  	v3 =	vld [tilespmem:$0xD0];
	_ =	sdelay $0x4  }
0x8c: {  	v61 =	vshrl.u32 v3, $0x3  }
0x8d: {  	v4 =	vmul.u32 $0x18, v61  }
0x8e: {  	v3 =	vand.u32 $0x7, v3  }
0x8f: {  	v3 =	vor.u32 v3, v4  }
0x90: {  	v4 =	vperm.xlane v3, v0;
	_ =	sdelay $0x1  }
0x91: {  	v4 =	vadd.s32 v1, v4;
	_ =	sdelay $0x1  }
0x92: {  	v3 =	vperm.xlane v3, v2;
	_ =	sdelay $0x1  }
0x93: {  	s8 =	rddreg [dreg:$0x1a];
	v3 =	vadd.s32 v1, v3  }
0x94: {  	[tilespmem:s8], [sflag:$0x3] =	stream.indirect_vreg.gather [hbm4b:s2+s4], $0x80, v4, vm0, $0xb8;
	[tilespmem:$0x15600] =	vst v63  }
0x95: {  	s9 =	rddreg [dreg:$0x1b]  }
0x96: {  	[tilespmem:s9], [sflag:$0x3] =	stream.indirect_vreg.gather [hbm4b:s5+s4], $0x80, v4, vm1, $0xb8;
	[tilespmem:$0x15600] =	vst v63  }
0x97: {  	_ = 	snop  }
0x98: {  	[tilespmem:s20], [sflag:$0x3] =	stream.indirect_vreg.gather [hbm4b:s2+s4], $0x80, v3, vm0, $0xb8;
	[tilespmem:$0x15600] =	vst v63  }
0x99: {  	_ = 	snop  }
0x9a: {  	[tilespmem:s21], [sflag:$0x3] =	stream.indirect_vreg.gather [hbm4b:s5+s4], $0x80, v3, vm1, $0xb8;
	[tilespmem:$0x15600] =	vst v63  }
0x9b: {  	v3 =	vld [tilespmem:$0xE0];
	_ =	sdelay $0x4  }
0x9c: {  	v62 =	vshrl.u32 v3, $0x3  }
0x9d: {  	v4 =	vmul.u32 $0x18, v62  }
0x9e: {  	v3 =	vand.u32 $0x7, v3  }
0x9f: {  	v3 =	vor.u32 v3, v4  }
0xa0: {  	v4 =	vperm.xlane v3, v0;
	_ =	sdelay $0x1  }
0xa1: {  	v4 =	vadd.s32 v1, v4;
	_ =	sdelay $0x1  }
0xa2: {  	v3 =	vperm.xlane v3, v2;
	_ =	sdelay $0x1  }
0xa3: {  	v3 =	vadd.s32 v1, v3  }
0xa4: {  	[tilespmem:s22], [sflag:$0x3] =	stream.indirect_vreg.gather [hbm4b:s2+s4], $0x80, v4, vm0, $0xb8;
	[tilespmem:$0x15600] =	vst v63  }
0xa5: {  	_ = 	snop  }
0xa6: {  	[tilespmem:s23], [sflag:$0x3] =	stream.indirect_vreg.gather [hbm4b:s5+s4], $0x80, v4, vm1, $0xb8;
	[tilespmem:$0x15600] =	vst v63  }
0xa7: {  	_ = 	snop  }
0xa8: {  	[tilespmem:s24], [sflag:$0x3] =	stream.indirect_vreg.gather [hbm4b:s2+s4], $0x80, v3, vm0, $0xb8;
	[tilespmem:$0x15600] =	vst v63  }
0xa9: {  	_ = 	snop  }
0xaa: {  	[tilespmem:s25], [sflag:$0x3] =	stream.indirect_vreg.gather [hbm4b:s5+s4], $0x80, v3, vm1, $0xb8;
	[tilespmem:$0x15600] =	vst v63  }
0xab: {  	v3 =	vld [tilespmem:$0xF0];
	_ =	sdelay $0x4  }
0xac: {  	v63 =	vshrl.u32 v3, $0x3  }
0xad: {  	v4 =	vmul.u32 $0x18, v63  }
0xae: {  	v3 =	vand.u32 $0x7, v3  }
0xaf: {  	v3 =	vor.u32 v3, v4  }
0xb0: {  	v4 =	vperm.xlane v3, v0;
	_ =	sdelay $0x1  }
0xb1: {  	v4 =	vadd.s32 v1, v4;
	_ =	sdelay $0x1  }
0xb2: {  	v3 =	vperm.xlane v3, v2;
	_ =	sdelay $0x1  }
0xb3: {  	v3 =	vadd.s32 v1, v3  }
0xb4: {  	[tilespmem:s26], [sflag:$0x3] =	stream.indirect_vreg.gather [hbm4b:s2+s4], $0x80, v4, vm0, $0xb8;
	[tilespmem:$0x15600] =	vst v63  }
0xb5: {  	_ = 	snop  }
0xb6: {  	[tilespmem:s28], [sflag:$0x3] =	stream.indirect_vreg.gather [hbm4b:s5+s4], $0x80, v4, vm1, $0xb8;
	[tilespmem:$0x15600] =	vst v63  }
0xb7: {  	_ = 	snop  }
0xb8: {  	[tilespmem:s29], [sflag:$0x3] =	stream.indirect_vreg.gather [hbm4b:s2+s4], $0x80, v3, vm0, $0xb8;
	[tilespmem:$0x15600] =	vst v63  }
0xb9: {  	_ = 	snop  }
0xba: {  	[tilespmem:s30], [sflag:$0x3] =	stream.indirect_vreg.gather [hbm4b:s5+s4], $0x80, v3, vm1, $0xb8;
	[tilespmem:$0x15600] =	vst v63  }
0xbb: {  	_ =	swait.ge [sflag:s31], $0x4000  }
0xbc: {  	[sflag:s31] =	ssyncset.done $0x0  }
0xbd: {  	[sflag:s31] =	ssyncadd.s32 $0xFFFFC000  }
0xbe: {  	_ =	swait.ge [sflag:s0], $0x4000  }
0xbf: {  	[sflag:s0] =	ssyncset.done $0x0  }
0xc0: {  	[sflag:s0] =	ssyncadd.s32 $0xFFFFC000  }
0xc1: {  	_ =	swait.ge [sflag:s3], $0xC000  }
0xc2: {  	[sflag:s3] =	ssyncset.done $0x0  }
0xc3: {  	[sflag:s3] =	ssyncadd.s32 $0xFFFF4000  }
0xc4: {  	[hbm4b:s6+s4] =	stream.linear.scatter [tilespmem:s17], [sflag:$0x4], $0x4000, $0x38;
	[tilespmem:$0x15600] =	vst v63  }
0xc5: {  	_ =	swait.ge [sflag:s15], $0x4000  }
0xc6: {  	[sflag:s15] =	ssyncset.done $0x0  }
0xc7: {  	[sflag:s15] =	ssyncadd.s32 $0xFFFFC000  }
0xc8: {  	[hbm4b:s13+s4] =	stream.linear.scatter [tilespmem:s18], [sflag:$0x4], $0x4000, $0x38;
	[tilespmem:$0x15600] =	vst v63  }
0xc9: {  	_ =	swait.ge [sflag:s15], $0x4000  }
0xca: {  	p0 =	sne.s32 s7, $0x260;
	[sflag:s15] =	ssyncset.done $0x0  }
.Ltmp0:
0xcb: {  	[sflag:s15] =	ssyncadd.s32 $0xFFFFC000;
	(pc) =	sbr.rel @p0 .LBB2_2-.Ltmp0, $4  }
0xcc: {  	[hbm4b:s14+s4] =	stream.linear.scatter [tilespmem:s19], [sflag:$0x4], $0xC000, $0x38;
	[tilespmem:$0x15600] =	vst v63  }
0xcd: {  	_ =	swait.ge [sflag:s15], $0xC000  }
0xce: {  	s7 =	sadd.s32 $0x10, s7;
	s6 =	sadd.s32 $0x800, s6;
	[sflag:s15] =	ssyncset.done $0x0  }
0xcf: {  	s13 =	sadd.s32 $0x800, s13;
	s14 =	sadd.s32 $0x1800, s14;
	[sflag:s15] =	ssyncadd.s32 $0xFFFF4000  }
0xd0: {  	s6 =	rddreg [dreg:$0x1c];
	s7 =	simm.s32 $0x14100  }
0xd1: {  	[tilespmem:s7], [sflag:$0x4] =	stream.linear.gather [hbm4b:s6+s4], $0x8, $0x38;
	[tilespmem:$0x15600] =	vst v63  }
0xd2: {  	_ =	swait.ge [sflag:s15], $0x8  }
0xd3: {  	[sflag:s15] =	ssyncset.done $0x0  }
0xd4: {  	s8 =	simm.s32 $0x14180;
	s13 =	rddreg [dreg:$0x1d];
	[sflag:s15] =	ssyncadd.s32 $0xFFFFFFF8  }
0xd5: {  	[tilespmem:s8], [sflag:$0x4] =	stream.linear.gather [hbm4b:s13+s4], $0x8, $0x38;
	[tilespmem:$0x15600] =	vst v63  }
0xd6: {  	_ =	swait.ge [sflag:s15], $0x8  }
0xd7: {  	[sflag:s15] =	ssyncset.done $0x0  }
0xd8: {  	s14 =	simm.s32 $0x8;
	s9 =	simm.s32 $0x14200;
	[sflag:s15] =	ssyncadd.s32 $0xFFFFFFF8  }
0xd9: {  	[tilespmem:s9], [sflag:$0x1] =	stream.indirect.gather [hbm4b:s1+s14], $0x80, s7, s14, $0xb8;
	[tilespmem:$0x15600] =	vst v63  }
0xda: {  	_ = 	snop  }
0xdb: {  	[tilespmem:s10], [sflag:$0x2] =	stream.indirect.gather [hbm4b:s1+s14], $0x80, s8, s14, $0xb8;
	[tilespmem:$0x15600] =	vst v63  }
0xdc: {  	v3 =	vld.msk [tilespmem:$0x14180], $0xff;
	_ =	sdelay $0x4  }
0xdd: {  	v4 =	vshrl.u32 v3, $0x3  }
0xde: {  	v4 =	vmul.u32 $0x18, v4  }
0xdf: {  	v3 =	vand.u32 $0x7, v3  }
0xe0: {  	v3 =	vor.u32 v3, v4  }
0xe1: {  	v3 =	vperm.xlane v3, v0;
	_ =	sdelay $0x1  }
0xe2: {  	v3 =	vadd.s32 v1, v3;
	_ =	sdelay $0x4  }
0xe3: {  	[tilespmem:s11], [sflag:$0x3] =	stream.indirect_vreg.gather [hbm4b:s2+s4], $0x80, v3, vm0, $0xb8;
	[tilespmem:$0x15600] =	vst v63  }
0xe4: {  	s7 =	simm.s32 $0x15200  }
0xe5: {  	[tilespmem:s7], [sflag:$0x3] =	stream.indirect_vreg.gather [hbm4b:s5+s4], $0x80, v3, vm1, $0xb8;
	[tilespmem:$0x15600] =	vst v63  }
0xe6: {  	_ =	swait.ge [sflag:s31], $0x400  }
0xe7: {  	[sflag:s31] =	ssyncset.done $0x0  }
0xe8: {  	[sflag:s31] =	ssyncadd.s32 $0xFFFFFC00  }
0xe9: {  	_ =	swait.ge [sflag:s0], $0x400  }
0xea: {  	[sflag:s0] =	ssyncset.done $0x0  }
0xeb: {  	[sflag:s0] =	ssyncadd.s32 $0xFFFFFC00  }
0xec: {  	_ =	swait.ge [sflag:s3], $0xC00  }
0xed: {  	[sflag:s3] =	ssyncset.done $0x0  }
0xee: {  	s8 =	rddreg [dreg:$0x1e];
	[sflag:s3] =	ssyncadd.s32 $0xFFFFF400  }
0xef: {  	[hbm4b:s8+s4] =	stream.linear.scatter [tilespmem:s9], [sflag:$0x4], $0x400, $0x38;
	[tilespmem:$0x15600] =	vst v63  }
0xf0: {  	_ =	swait.ge [sflag:s15], $0x400  }
0xf1: {  	[sflag:s15] =	ssyncset.done $0x0  }
0xf2: {  	s9 =	rddreg [dreg:$0x1f];
	[sflag:s15] =	ssyncadd.s32 $0xFFFFFC00  }
0xf3: {  	[hbm4b:s9+s4] =	stream.linear.scatter [tilespmem:s10], [sflag:$0x4], $0x400, $0x38;
	[tilespmem:$0x15600] =	vst v63  }
0xf4: {  	_ =	swait.ge [sflag:s15], $0x400  }
0xf5: {  	s13 =	sld [smem:$0x7F9]  }
0xf6: {  	[sflag:s15] =	ssyncset.done $0x0  }
0xf7: {  	[sflag:s15] =	ssyncadd.s32 $0xFFFFFC00  }
0xf8: {  	[hbm4b:s13+s4] =	stream.linear.scatter [tilespmem:s11], [sflag:$0x4], $0xC00, $0x38;
	[tilespmem:$0x15600] =	vst v63  }
0xf9: {  	_ =	swait.ge [sflag:s15], $0xC00  }
0xfa: {  	s14 =	sld [smem:$0x7FA];
	_ =	sdelay $0x1  }
0xfb: {  	s12 =	sadd.s32 $0x1, s12  }
0xfc: {  	p0 =	sne.s32 s12, s14  }
.Ltmp1:
0xfd: {  	_ = 	snop;
	(pc) =	sbr.rel @p0 .LBB2_1-.Ltmp1, $3  }
0xfe: {  	_ =	sdelay $0x1  }
0xff: {  	[sflag:s15] =	ssyncset.done $0x0  }
0x100: {  	[sflag:s15] =	ssyncadd.s32 $0xFFFFF400  }
0x101: {  	_ =	sfence.sel $0x180000  }
0x102: {  	[bflag:$0x0] =	sbarrier.arrive $0xFFFF  }
0x103: {  	_ =	strace $0x90000047  }
0x104: {  	s0 =	stileid.u32;
	[bflag:$0x2] =	sbarrier.arrive $0xFFFF  }
0x105: {  	p0 =	sne.s32 s0, $0x0;
	s0 =	rddreg [dreg:$0x4]  }
0x106: {  	s0 =	sadd.s32 @!p0 $0x100000, s0  }
0x107: {  	[sflag:s0] =	ssyncadd.tile.s32 @!p0 $0x1;
	_ =	shalt  }
.Lfunc_end2:
_tile_overlayer_lowered:
.L_overlay_start_2:
0x108: {  	(tag) =	ssettag $0x2  }
0x109: {  	s0 =	rddreg [dreg:$0x0];
	s2 =	stileid.u32  }
0x10a: {  	s1 =	rddreg [dreg:$0x1];
	p0 =	sne.s32 s2, $0x0  }
0x10b: {  	s3 =	rddreg [dreg:$0x2];
	[bflag:$0x3] =	sbarrier.arrive $0xFFFF;
	s2 =	simm.s32 @!p0 $0x1C04  }
0x10c: {  	[timem:s3], [sflag:s2] =	dma.local @!p0 [hbm:s0], s1  }
0x10d: {  	s0 =	simm.s32 @!p0 $0x4  }
0x10e: {  	_ =	swait.ge @!p0 [sflag:s0], s1  }
0x10f: {  	s1 =	ssub.s32 @!p0 $0x0, s1;
	[sflag:s0] =	ssyncset.done @!p0 $0x0  }
0x110: {  	[sflag:s0] =	ssyncadd.s32 @!p0 s1  }
0x111: {  	[bflag:$0x3] =	sbarrier.arrive $0xFFFF  }
0x112: {  	_ =	shalt  }

// kernel: kernel.8.cloned.1.call-start
scs
__scs_entry_jumppad:
0x0: {  	(pc) =	sbr.rel $0x88, $3  }
0x1: {  	(tag) =	ssettag $0x0;
	lr =	simm.s32 $0x1  }
0x2: {  	[smem:$0x3F92] =	sst lr;
	_ =	strace $0xD0000000  }
0x3: {  	_ = 	snop  }
0x4: {  	_ = 	snop  }
0x5: {  	_ = 	snop  }
0x6: {  	_ = 	snop  }
0x7: {  	_ = 	snop  }
__scs_overlays_trampoline_lowered:
0x8: {  	[smem:$0x3FA1] =	sst s0  }
0x9: {  	[smem:$0x3FA2] =	sst s1  }
0xa: {  	[smem:$0x3FA3] =	sst s2  }
0xb: {  	[smem:$0x3FA4] =	sst s3  }
0xc: {  	[smem:$0x3FA5] =	sst s4  }
0xd: {  	[smem:$0x3FA6] =	sst s5  }
0xe: {  	[smem:$0x3FA7] =	sst s6  }
0xf: {  	[smem:$0x3FA8] =	sst s7  }
0x10: {  	[smem:$0x3FA9] =	sst s8  }
0x11: {  	[smem:$0x3FAA] =	sst s9;
	s0 =	simm.s32 @!p0 $0x0  }
0x12: {  	s1 =	sld [smem:$0x3F90];
	s0 =	simm.s32 @p0 $0x1  }
0x13: {  	[smem:$0x3FAB] =	sst s0;
	s0 =	simm.s32 @!p1 $0x0  }
0x14: {  	s2 =	sld [smem:$0x3F8F];
	s0 =	simm.s32 @p1 $0x1  }
0x15: {  	[smem:$0x3FAC] =	sst s0;
	s0 =	simm.s32 @!p2 $0x0  }
0x16: {  	s3 =	sld [smem:$0x3FDB];
	s0 =	simm.s32 @p2 $0x1  }
0x17: {  	s4 =	simm.s32 $0x1BF5;
	[smem:$0x3FAE] =	sst s0  }
0x18: {  	s0 =	sld [smem:$0x3F91];
	_ =	swait.ge [sflag:s4], $0x0  }
0x19: {  	s7 =	sld [smem:$0x3F92]  }
0x1a: {  	s8 =	sadd.s32 $0xFFFFE003, lr  }
0x1b: {  	s9 =	sadd.s32 $0xFFFFFEF7, lr;
	s5 =	simm.s32 $0xFFFFFFFF;
	p2 =	slt.u32 s8, $0xFFFFF086  }
0x1c: {  	p1 =	slt.u32 s9, $0xF7A;
	s5 =	simm.s32 @!p2 $0x0  }
0x1d: {  	s5 =	simm.s32 @p1 $0x1;
	p0 =	seq.s32 s7, s2  }
0x1e: {  	s7 =	smul.u32 @!p0 $0xF7A, s2;
	p2 =	seq.s32 @!p0 s5, $0x0  }
0x1f: {  	s9 =	smul.u32 $0xF7A, s1;
	s8 =	simm.s32 @!p0 $0x1BF5;
	p2 =	por !p2, p0  }
0x20: {  	[sflag:s8] =	ssyncset.s32 @!p0 $0xFFFFF086;
	s6 =	sadd.s32 @!p0 s3, s7;
	s7 =	simm.s32 @!p0 $0x108  }
0x21: {  	s3 =	sadd.s32 s3, s9;
	s6 =	sadd.s32 @!p0 $0x88, s6;
	s7 =	simm.s32 @p2 $0x1082  }
0x22: {  	[simem:s7], [sflag:s8] =	dma.local @!p0 [hbm:s6], $0xF7A  }
0x23: {  	s9 =	sor.u32 $0xD0000000, s2;
	s6 =	simm.s32 $0x108;
	_ =	swait.ge @!p0 [sflag:s8], $0x0  }
0x24: {  	s3 =	sadd.s32 $0x88, s3;
	s6 =	simm.s32 @!p1 $0x1082;
	[sflag:s4] =	ssyncset.s32 $0xFFFFF086  }
0x25: {  	[simem:s6], [sflag:s4] =	dma.local [hbm:s3], $0xF7A  }
0x26: {  	[smem:$0x3F92] =	sst s1;
	(tag) =	ssettag s2;
	_ =	strace s9  }
0x27: {  	s1 =	sld [smem:$0x3FA2]  }
0x28: {  	s2 =	sld [smem:$0x3FA3]  }
0x29: {  	s4 =	sld [smem:$0x3FA5]  }
0x2a: {  	p0 =	seq.s32 s5, $0x0;
	s5 =	sld [smem:$0x3FA6]  }
0x2b: {  	s6 =	sld [smem:$0x3FA7]  }
0x2c: {  	s7 =	sld [smem:$0x3FA8]  }
0x2d: {  	s3 =	simm.s32 $0x108;
	s8 =	sld [smem:$0x3FA9]  }
0x2e: {  	s3 =	simm.s32 @!p0 $0x1082;
	s9 =	sld [smem:$0x3FAA]  }
0x2f: {  	lr =	sadd.s32 s0, s3;
	s0 =	sld [smem:$0x3FA1]  }
0x30: {  	s3 =	sld [smem:$0x3FA4]  }
0x31: {  	[smem:$0x3FAD] =	sst s10  }
0x32: {  	s10 =	sld [smem:$0x3FAB];
	_ =	sdelay $0x3  }
0x33: {  	p0 =	seq.s32 s10, $0x1;
	s10 =	sld [smem:$0x3FAD];
	_ =	sdelay $0x3  }
0x34: {  	[smem:$0x3FAD] =	sst s10  }
0x35: {  	s10 =	sld [smem:$0x3FAC];
	_ =	sdelay $0x3  }
0x36: {  	p1 =	seq.s32 s10, $0x1;
	s10 =	sld [smem:$0x3FAD];
	_ =	sdelay $0x3  }
0x37: {  	[smem:$0x3FAD] =	sst s10  }
0x38: {  	s10 =	sld [smem:$0x3FAE]  }
0x39: {  	_ = 	snop;
	(pc) =	sbr.ind lr, $3  }
0x3a: {  	_ = 	snop  }
0x3b: {  	_ = 	snop  }
0x3c: {  	p2 =	seq.s32 s10, $0x1;
	s10 =	sld [smem:$0x3FAD]  }
0x3d: {  	_ =	shalt  }
0x3e: {  	_ =	shalt  }
0x3f: {  	_ =	shalt  }
0x40: {  	_ =	shalt  }
0x41: {  	_ =	shalt  }
0x42: {  	_ =	shalt  }
0x43: {  	_ =	shalt  }
0x44: {  	_ =	shalt  }
0x45: {  	_ =	shalt  }
0x46: {  	_ =	shalt  }
0x47: {  	_ =	shalt  }
0x48: {  	_ =	shalt  }
0x49: {  	_ =	shalt  }
0x4a: {  	_ =	shalt  }
0x4b: {  	_ =	shalt  }
0x4c: {  	_ =	shalt  }
0x4d: {  	_ =	shalt  }
0x4e: {  	_ =	shalt  }
0x4f: {  	_ =	shalt  }
0x50: {  	_ =	shalt  }
0x51: {  	_ =	shalt  }
0x52: {  	_ =	shalt  }
0x53: {  	_ =	shalt  }
0x54: {  	_ =	shalt  }
0x55: {  	_ =	shalt  }
0x56: {  	_ =	shalt  }
0x57: {  	_ =	shalt  }
0x58: {  	_ =	shalt  }
0x59: {  	_ =	shalt  }
0x5a: {  	_ =	shalt  }
0x5b: {  	_ =	shalt  }
0x5c: {  	_ =	shalt  }
0x5d: {  	_ =	shalt  }
0x5e: {  	_ =	shalt  }
0x5f: {  	_ =	shalt  }
0x60: {  	_ =	shalt  }
0x61: {  	_ =	shalt  }
0x62: {  	_ =	shalt  }
0x63: {  	_ =	shalt  }
0x64: {  	_ =	shalt  }
0x65: {  	_ =	shalt  }
0x66: {  	_ =	shalt  }
0x67: {  	_ =	shalt  }
0x68: {  	_ =	shalt  }
0x69: {  	_ =	shalt  }
0x6a: {  	_ =	shalt  }
0x6b: {  	_ =	shalt  }
0x6c: {  	_ =	shalt  }
0x6d: {  	_ =	shalt  }
0x6e: {  	_ =	shalt  }
0x6f: {  	_ =	shalt  }
0x70: {  	_ =	shalt  }
0x71: {  	_ =	shalt  }
0x72: {  	_ =	shalt  }
0x73: {  	_ =	shalt  }
0x74: {  	_ =	shalt  }
0x75: {  	_ =	shalt  }
0x76: {  	_ =	shalt  }
0x77: {  	_ =	shalt  }
0x78: {  	_ =	shalt  }
0x79: {  	_ =	shalt  }
0x7a: {  	_ =	shalt  }
0x7b: {  	_ =	shalt  }
0x7c: {  	_ =	shalt  }
0x7d: {  	_ =	shalt  }
0x7e: {  	_ =	shalt  }
0x7f: {  	_ =	shalt  }
0x80: {  	_ =	shalt  }
0x81: {  	_ =	shalt  }
0x82: {  	_ =	shalt  }
0x83: {  	_ =	shalt  }
0x84: {  	_ =	shalt  }
0x85: {  	_ =	shalt  }
0x86: {  	_ =	shalt  }
0x87: {  	_ =	shalt  }
.Lfunc_end0:
.L_simem_size_0:
called_computation.1_lowered:
.L_overlay_start_0:
0x88: {  	s2 =	sld [smem:$0x3FD9]  }
0x89: {  	s3 =	sld [smem:$0x3FFE];
	_ =	sdelay $0x1  }
0x8a: {  	s1 =	srdreg.scid  }
0x8b: {  	s0 =	sand.u32 $0x1, s1  }
0x8c: {  	s14 =	sshll.u32 s0, $0xA;
	s2 =	sadd.s32 s3, s2  }
0x8d: {  	s2 =	sadd.s32 s2, s14  }
0x8e: {  	[smem:$0x3FB9] =	sst s2  }
0x8f: {  	_ = 	snop  }
0x90: {  	s2 =	sld [smem:$0x3FD0];
	_ =	sdelay $0x2  }
0x91: {  	s15 =	simm.s32 $0xA;
	s4 =	simm.s32 $0x10  }
0x92: {  	[smem:s4], [sflag:s15] =	dma.local [hbm:s2], $0x1  }
0x93: {  	_ =	swait.eq [sflag:s15], $0x1  }
0x94: {  	[sflag:s15] =	ssyncset.done $0x0  }
0x95: {  	s16 =	sld [smem:$0x10];
	[sflag:s15] =	ssyncadd.s32 $0xFFFFFFFF  }
0x96: {  	s17 =	sld [smem:$0x11];
	(tm) =	ssettm $0x1  }
0x97: {  	s18 =	sld [smem:$0x3FFB];
	_ =	sdelay $0x3  }
0x98: {  	_ =	strace s18  }
0x99: {  	s4 =	sld [smem:$0x3FFC];
	_ =	sdelay $0x3  }
0x9a: {  	_ =	strace s4  }
0x9b: {  	s4 =	sld [smem:$0x3FFD];
	_ =	sdelay $0x3  }
0x9c: {  	_ =	strace s4  }
0x9d: {  	_ =	strace $0x8FFFFFFF  }
0x9e: {  	s19 =	sld [smem:$0x3FDB];
	_ =	sdelay $0x1  }
0x9f: {  	s5 =	simm.s32 $_scs_section_size  }
0xa0: {  	s6 =	simm.s32 $_size__tile_overlayer_lowered;
	s7 =	simm.s32 $_tile_overlayer_lowered  }
0xa1: {  	s22 =	simm.s32 $0x1BFF;
	s21 =	sshll.u32 s7, $0x1;
	s4 =	sadd.s32 s5, s19  }
0xa2: {  	s8 =	simm.s32 $0x0;
	s20 =	sshll.u32 s6, $0x1;
	s6 =	sadd.s32 s21, s4  }
0xa3: {  	[timem:s8], [sflag:s22] =	dma.local [hbm:s6], s20  }
0xa4: {  	_ =	swait.ge [sflag:s22], s20  }
0xa5: {  	s5 =	ssub.s32 $0x0, s20;
	[sflag:s22] =	ssyncset.done $0x0  }
0xa6: {  	[sflag:s22] =	ssyncadd.s32 s5;
	_ =	sdelay $0x1  }
0xa7: {  	s23 =	simm.s32 $0x1B8B  }
0xa8: {  	_ =	swait.ge [sflag:s23], $0x1  }
0xa9: {  	[sflag:s23] =	ssyncset.done $0x0  }
0xaa: {  	s25 =	simm.s32 $0x1B8E;
	s24 =	sld [smem:$0x3FFE];
	[sflag:s23] =	ssyncadd.s32 $0xFFFFFFFF  }
0xab: {  	s26 =	simm.s32 $execute0_lowered;
	[smem:$0x3FD2] =	sst s25  }
0xac: {  	s6 =	sshll.u32 s26, $0x1;
	_ =	strace $0x80000049;
	[dreg:$0x1] =	wrdreg $0xFFFFFFFF  }
0xad: {  	s28 =	simm.s32 $_size_execute0_lowered;
	s4 =	sadd.s32 s4, s6;
	[dreg:$0x0] =	wrdreg $0x0  }
0xae: {  	s6 =	sshll.u32 s28, $0x1;
	[dreg:$0x2] =	wrdreg s4  }
0xaf: {  	[dreg:$0x3] =	wrdreg s6  }
0xb0: {  	[dreg:$0x4] =	wrdreg $0xC0  }
0xb1: {  	_ =	task [dreg:s8], $0x5FFFF  }
0xb2: {  	[dreg:$0x1] =	wrdreg $0xFFFFFFFF  }
0xb3: {  	[dreg:$0x0] =	wrdreg $0x60  }
0xb4: {  	[dreg:$0x2] =	wrdreg s24  }
0xb5: {  	[dreg:$0x3] =	wrdreg s16  }
0xb6: {  	[dreg:$0x4] =	wrdreg s17  }
0xb7: {  	[dreg:$0x5] =	wrdreg $0x89000  }
0xb8: {  	[dreg:$0x6] =	wrdreg $0x9  }
0xb9: {  	_ =	task.clear_ibuf [dreg:s8], $0x7FFFF;
	_ =	strace $0x90000049  }
0xba: {  	s29 =	simm.s32 $0x9;
	_ =	strace $0x8000004B  }
0xbb: {  	_ =	swait.ge [sflag:s29], $0x1  }
0xbc: {  	[sflag:s29] =	ssyncadd.s32 $0xFFFFFFFF  }
0xbd: {  	_ =	strace $0x9000004B  }
0xbe: {  	_ =	sfence  }
0xbf: {  	s30 =	sld [smem:$0x0];
	_ =	sdelay $0x2  }
0xc0: {  	s31 =	sshll.u32 s1, $0xD;
	s1 =	sshrl.u32 s1, $0x2  }
0xc1: {  	s3 =	sand.u32 $0x4000, s31;
	s1 =	sadd.s32 s1, s30  }
0xc2: {  	s0 =	sor.u32 s3, s0;
	s1 =	sshll.u32 s1, $0x11  }
0xc3: {  	s0 =	sor.u32 s1, s0  }
0xc4: {  	s0 =	sadd.s32 $0x8F2B, s0  }
0xc5: {  	[sflag:s0] =	ssyncadd.remote.s32 $0x1  }
0xc6: {  	_ =	sfence.sel $0xFFFF  }
0xc7: {  	[dreg:$0x0] =	wrdreg $0xFFFFFFFF;
	(pc) =	sbr.abs _section_cstart, $3  }
0xc8: {  	[dreg:$0x1] =	wrdreg $0xFFFFFFFF  }
0xc9: {  	_ =	task.clear_ibuf [dreg:s8], $0x2FFFF;
	_ =	strace $0x9FFFFFFF  }
0xca: {  	(tm) =	ssettm $0x7FFFFFFF  }
0xcb: {  	_ =	shalt  }
tec
execute0_lowered:
.L_overlay_start_1:
0x0: {  	(tag) =	ssettag $0x1  }
0x1: {  	s0 =	rddreg [dreg:$0x0]  }
0x2: {  	s1 =	rddreg [dreg:$0x1]  }
0x3: {  	s12 =	rddreg [dreg:$0x2]  }
0x4: {  	s2 =	rddreg [dreg:$0x3]  }
0x5: {  	s3 =	simm.s32 $0x0;
	s23 =	stileid.u32;
	s4 =	srdreg.scid  }
0x6: {  	s28 =	simm.s32 $0x80;
	s29 =	simm.s32 $0x4080;
	s5 =	smul.u32 $0x4E000, s23  }
0x7: {  	s30 =	simm.s32 $0x4100;
	s31 =	simm.s32 $0x10;
	s9 =	smul.u32 $0x2710, s23  }
0x8: {  	[smem:$0x7FF] =	sst s3;
	s13 =	sadd.s32 $0xEAD400, s0;
	s19 =	smul.u32 $0x7500, s23  }
0x9: {  	s14 =	sand.u32 $0x1, s4;
	s0 =	sadd.s32 $0x2400, s0;
	s22 =	smul.u32 $0x2700, s23  }
0xa: {  	s25 =	sadd.s32 $0x75080, s12;
	s26 =	smul.u32 $0x3A800, s23;
	p0 =	sne.s32 s23, $0xF  }
0xb: {  	_ =	strace $0x8000004A;
	s6 =	ssub.s32 $0x2, s14;
	s20 =	sshll.u32 s14, $0x8  }
0xc: {  	[dreg:$0x7] =	wrdreg s25;
	p1 =	sne.s32 s14, $0x0;
	s16 =	sshrl.u32 s5, $0x2  }
0xd: {  	s17 =	sshrl.u32 s6, $0x1;
	s21 =	sadd.s32 s19, s12;
	s25 =	sadd.s32 s20, s12  }
0xe: {  	s4 =	sadd.s32 s16, s2;
	s15 =	ssub.s32 s6, s17;
	s16 =	sadd.s32 $0x2700, s9  }
0xf: {  	s9 =	sadd.s32 $0x138000, s2;
	s17 =	sshll.u32 s14, $0xB;
	s24 =	sadd.s32 $0x80, s21  }
0x10: {  	s21 =	sadd.s32 s1, s22;
	s1 =	sadd.s32 $0x27000, s1;
	s5 =	sadd.s32 $0x4000, s4  }
0x11: {  	s6 =	sadd.s32 $0x8000, s4;
	s7 =	sadd.s32 $0xC000, s4;
	[dreg:$0x6] =	wrdreg s24  }
0x12: {  	s8 =	sadd.s32 $0x10000, s4;
	s10 =	sshll.u32 s16, $0x9;
	[dreg:$0x8] =	wrdreg s21  }
0x13: {  	s11 =	sshrl.u32 s16, $0x3;
	s16 =	sshll.u32 s16, $0x6;
	[dreg:$0x9] =	wrdreg s1  }
0x14: {  	s21 =	smul.u32 $0x9C400, s23;
	s19 =	smax.u32 s15, $0x1;
	s15 =	simm.s32 $0x0  }
0x15: {  	s18 =	sor.u32 s17, s10;
	s10 =	sadd.s32 s0, s11;
	s17 =	sadd.s32 s17, s26  }
0x16: {  	s26 =	smul.u32 $0x4E2, s23;
	s23 =	simm.s32 $0x4900;
	s18 =	sshrl.u32 s18, $0x3  }
0x17: {  	s24 =	sshrl.u32 s17, $0x3;
	s11 =	sadd.s32 s13, s18;
	s13 =	sadd.s32 s20, s13  }
0x18: {  	s17 =	sadd.s32 s12, s24;
	s18 =	sadd.s32 $0x75000, s25;
	s24 =	simm.s32 $0x1  }
0x19: {  	s25 =	simm.s32 $0x400;
	[dreg:$0x5] =	wrdreg s11;
	s22 =	sadd.s32 s16, s13  }
0x1a: {  	s20 =	sadd.s32 s21, s13;
	s21 =	sadd.s32 s26, s0;
	s1 =	sadd.s32 $0x80, s22  }
0x1b: {  	v0 =	vimm.f32 $0.0e+00;
	s26 =	simm.s32 $0x1000;
	s22 =	sadd.s32 $0x80, s20;
	[dreg:$0xa] =	wrdreg s1  }
.LBB2_1:
0x1c: {  	s0 =	simm.s32 $0x0;
	s1 =	simm.s32 $0x200  }
.LBB2_2:
0x1d: {  	p2 =	sne.s32 s1, $0xFE00;
	[tilespmem:s0+$0x4970] =	vst v0  }
0x1e: {  	[tilespmem:s0+$0x4900] =	vst v0  }
0x1f: {  	[tilespmem:s0+$0x4910] =	vst v0  }
.Ltmp0:
0x20: {  	[tilespmem:s0+$0x4920] =	vst v0;
	(pc) =	sbr.rel @p2 .LBB2_2-.Ltmp0, $4  }
0x21: {  	[tilespmem:s0+$0x4930] =	vst v0  }
0x22: {  	[tilespmem:s0+$0x4940] =	vst v0  }
0x23: {  	[tilespmem:s0+$0x4950] =	vst v0  }
0x24: {  	[tilespmem:s0+$0x4960] =	vst v0;
	s0 =	sshra.s32 s1, $0x2;
	s1 =	sadd.s32 $0x200, s1  }
0x25: {  	[tilespmem:s0+$0x4970] =	vst v0  }
0x26: {  	[tilespmem:s0+$0x4900] =	vst v0  }
0x27: {  	[tilespmem:s0+$0x4910] =	vst v0  }
0x28: {  	[tilespmem:s0+$0x4920] =	vst v0  }
0x29: {  	[tilespmem:s0+$0x4930] =	vst v0  }
0x2a: {  	[tilespmem:s0+$0x4940] =	vst v0  }
0x2b: {  	[tilespmem:s0+$0x4950] =	vst v0  }
0x2c: {  	[tilespmem:s0+$0x4960] =	vst v0  }
0x2d: {  	[spmem:s4] =	stream.linear.scatter [tilespmem:s23], [sflag:$0x1], $0x4000, $0x38;
	[tilespmem:$0x1C180] =	vst v63  }
0x2e: {  	_ =	swait.ge [sflag:s24], $0x4000  }
0x2f: {  	[sflag:s24] =	ssyncset.done $0x0  }
0x30: {  	[sflag:s24] =	ssyncadd.s32 $0xFFFFC000  }
0x31: {  	[spmem:s5] =	stream.linear.scatter [tilespmem:s23], [sflag:$0x1], $0x4000, $0x38;
	[tilespmem:$0x1C180] =	vst v63  }
0x32: {  	_ =	swait.ge [sflag:s24], $0x4000  }
0x33: {  	[sflag:s24] =	ssyncset.done $0x0  }
0x34: {  	[sflag:s24] =	ssyncadd.s32 $0xFFFFC000  }
0x35: {  	[spmem:s6] =	stream.linear.scatter [tilespmem:s23], [sflag:$0x1], $0x4000, $0x38;
	[tilespmem:$0x1C180] =	vst v63  }
0x36: {  	_ =	swait.ge [sflag:s24], $0x4000  }
0x37: {  	[sflag:s24] =	ssyncset.done $0x0  }
0x38: {  	[sflag:s24] =	ssyncadd.s32 $0xFFFFC000  }
0x39: {  	[spmem:s7] =	stream.linear.scatter [tilespmem:s23], [sflag:$0x1], $0x4000, $0x38;
	[tilespmem:$0x1C180] =	vst v63  }
0x3a: {  	_ =	swait.ge [sflag:s24], $0x4000  }
0x3b: {  	[sflag:s24] =	ssyncset.done $0x0  }
0x3c: {  	[sflag:s24] =	ssyncadd.s32 $0xFFFFC000  }
0x3d: {  	[spmem:s8] =	stream.linear.scatter [tilespmem:s23], [sflag:$0x1], $0x3800, $0x38;
	[tilespmem:$0x1C180] =	vst v63  }
0x3e: {  	_ =	swait.ge [sflag:s24], $0x3800  }
0x3f: {  	[sflag:s24] =	ssyncset.done $0x0  }
0x40: {  	s0 =	simm.s32 @!p0 $0x4900;
	[sflag:s24] =	ssyncadd.s32 $0xFFFFC800  }
0x41: {  	[spmem:s9] =	stream.linear.scatter @!p0 [tilespmem:s0], [sflag:$0x1], $0x800, $0x38;
	[tilespmem:$0x1C180] =	vst v63  }
0x42: {  	s0 =	simm.s32 @!p0 $0x1  }
0x43: {  	_ =	swait.ge @!p0 [sflag:s0], $0x800  }
0x44: {  	[sflag:s0] =	ssyncset.done @!p0 $0x0  }
0x45: {  	[sflag:s0] =	ssyncadd.s32 @!p0 $0xFFFFF800  }
0x46: {  	s16 =	sadd.s32 $0x0, s21;
	[bflag:$0x0] =	sbarrier.arrive $0xFFFF  }
0x47: {  	[tilespmem:s3], [sflag:$0x1] =	stream.linear.gather [hbm4b:s16+s3], $0x80, $0x38;
	[tilespmem:$0x1C180] =	vst v63  }
0x48: {  	_ =	swait.ge [sflag:s24], $0x80  }
0x49: {  	[sflag:s24] =	ssyncset.done $0x0  }
0x4a: {  	[sflag:s24] =	ssyncadd.s32 $0xFFFFFF80  }
0x4b: {  	[tilespmem:s28], [sflag:$0x1] =	stream.strided.gather [hbm4b:s20+s25], $0x4000, s26, s25, $0x38;
	[tilespmem:$0x1C180] =	vst v63  }
0x4c: {  	_ =	swait.ge [sflag:s24], $0x4000  }
0x4d: {  	[sflag:s24] =	ssyncset.done $0x0  }
0x4e: {  	[sflag:s24] =	ssyncadd.s32 $0xFFFFC000  }
0x4f: {  	[spmem:s2] =	stream.indirect.scatter.add.f32 [tilespmem:s28], [sflag:$0x1], $0x80, s3, s28, $0xb8;
	[tilespmem:$0x1C180] =	vst v63  }
0x50: {  	s1 =	simm.s32 $0x10;
	_ =	swait.ge [sflag:s24], $0x4000  }
0x51: {  	s12 =	sadd.s32 $0x2000, s20;
	s0 =	simm.s32 $0x20;
	[sflag:s24] =	ssyncset.done $0x0  }
.LBB2_4:
0x52: {  	s13 =	sadd.s32 s1, s21  }
0x53: {  	[sflag:s24] =	ssyncadd.s32 $0xFFFFC000;
	s1 =	smov.u32 s0;
	s14 =	sadd.s32 $0x10, s0  }
0x54: {  	[tilespmem:s3], [sflag:$0x1] =	stream.linear.gather [hbm4b:s13+s3], $0x80, $0x38;
	[tilespmem:$0x1C180] =	vst v63  }
0x55: {  	p2 =	sne.s32 s0, $0x4D0;
	_ =	swait.ge [sflag:s24], $0x80  }
0x56: {  	[sflag:s24] =	ssyncset.done $0x0  }
0x57: {  	[sflag:s24] =	ssyncadd.s32 $0xFFFFFF80  }
0x58: {  	[tilespmem:s28], [sflag:$0x1] =	stream.strided.gather [hbm4b:s12+s25], $0x4000, s26, s25, $0x38;
	[tilespmem:$0x1C180] =	vst v63  }
0x59: {  	_ =	swait.ge [sflag:s24], $0x4000  }
.Ltmp1:
0x5a: {  	[sflag:s24] =	ssyncset.done $0x0;
	(pc) =	sbr.rel @p2 .LBB2_4-.Ltmp1, $4  }
0x5b: {  	[sflag:s24] =	ssyncadd.s32 $0xFFFFC000  }
0x5c: {  	[spmem:s2] =	stream.indirect.scatter.add.f32 [tilespmem:s28], [sflag:$0x1], $0x80, s3, s28, $0xb8;
	[tilespmem:$0x1C180] =	vst v63  }
0x5d: {  	_ =	swait.ge [sflag:s24], $0x4000  }
0x5e: {  	s0 =	smov.u32 s14;
	s12 =	sadd.s32 $0x2000, s12;
	[sflag:s24] =	ssyncset.done $0x0  }
0x5f: {  	s0 =	sadd.s32 s1, s21;
	[sflag:s24] =	ssyncadd.s32 $0xFFFFC000  }
0x60: {  	[tilespmem:s3], [sflag:$0x1] =	stream.linear.gather [hbm4b:s0+s3], $0x80, $0x38;
	[tilespmem:$0x1C180] =	vst v63  }
0x61: {  	_ =	swait.ge [sflag:s24], $0x80  }
0x62: {  	[sflag:s24] =	ssyncset.done $0x0  }
0x63: {  	[sflag:s24] =	ssyncadd.s32 $0xFFFFFF80  }
0x64: {  	[tilespmem:s28], [sflag:$0x1] =	stream.strided.gather [hbm4b:s12+s25], $0x4000, s26, s25, $0x38;
	[tilespmem:$0x1C180] =	vst v63  }
0x65: {  	_ =	swait.ge [sflag:s24], $0x4000  }
0x66: {  	[sflag:s24] =	ssyncset.done $0x0  }
0x67: {  	[sflag:s24] =	ssyncadd.s32 $0xFFFFC000  }
0x68: {  	[spmem:s2] =	stream.indirect.scatter.add.f32 [tilespmem:s28], [sflag:$0x1], $0x80, s3, s28, $0xb8;
	[tilespmem:$0x1C180] =	vst v63  }
0x69: {  	_ =	swait.ge [sflag:s24], $0x4000  }
0x6a: {  	[sflag:s24] =	ssyncset.done $0x0  }
0x6b: {  	[sflag:s24] =	ssyncadd.s32 $0xFFFFC000  }
0x6c: {  	[tilespmem:s29], [sflag:$0x1] =	stream.linear.gather [hbm4b:s10+s3], $0x10, $0x38;
	[tilespmem:$0x1C180] =	vst v63  }
0x6d: {  	_ =	swait.ge [sflag:s24], $0x10  }
0x6e: {  	[sflag:s24] =	ssyncset.done $0x0  }
0x6f: {  	s14 =	rddreg [dreg:$0x5];
	[sflag:s24] =	ssyncadd.s32 $0xFFFFFFF0  }
0x70: {  	[tilespmem:s30], [sflag:$0x1] =	stream.strided.gather [hbm4b:s14+s25], $0x800, s26, s25, $0x38;
	[tilespmem:$0x1C180] =	vst v63  }
0x71: {  	_ =	swait.ge [sflag:s24], $0x800  }
0x72: {  	[sflag:s24] =	ssyncset.done $0x0  }
0x73: {  	[sflag:s24] =	ssyncadd.s32 $0xFFFFF800  }
0x74: {  	[spmem:s2] =	stream.indirect.scatter.add.f32 [tilespmem:s30], [sflag:$0x1], $0x80, s29, s31, $0xb8;
	[tilespmem:$0x1C180] =	vst v63  }
.Ltmp2:
0x75: {  	_ =	swait.ge [sflag:s24], $0x800;
	(pc) =	sbr.rel @p1 .LBB2_8-.Ltmp2, $4  }
0x76: {  	[sflag:s24] =	ssyncset.done $0x0  }
0x77: {  	s16 =	stileid.u32;
	[sflag:s24] =	ssyncadd.s32 $0xFFFFF800  }
0x78: {  	s0 =	sshll.u32 s16, $0x6;
	[bflag:$0x0] =	sbarrier.arrive $0xFFFF  }
0x79: {  	s12 =	sor.u32 $0x1C01, s0;
	s14 =	sshrl.u32 s4, $0x3  }
.Ltmp3:
0x7a: {  	s0 =	rddreg [dreg:$0x8];
	(pc) =	sbr.rel @p0 .LBB2_11-.Ltmp3, $4  }
0x7b: {  	[hbm:s0], [sflag:s12] =	dma.local [spmem:s14], $0x2700  }
0x7c: {  	_ =	swait.ge [sflag:s24], $0x2700  }
0x7d: {  	[sflag:s24] =	ssyncset.done $0x0  }
0x7e: {  	[sflag:s24] =	ssyncadd.s32 $0xFFFFD900  }
.Ltmp4:
0x7f: {  	(pc) =	sbr.rel .LBB2_10-.Ltmp4, $3  }
0x80: {  	_ =	sdelay $0x1  }
0x81: {  	s0 =	sshrl.u32 s9, $0x3;
	s1 =	rddreg [dreg:$0x9]  }
0x82: {  	[hbm:s1], [sflag:s12] =	dma.local [spmem:s0], $0x100  }
.LBB2_8:
0x83: {  	s0 =	rddreg [dreg:$0x6]  }
.Ltmp5:
0x84: {  	s1 =	simm.s32 $0x8;
	s11 =	simm.s32 $0x180;
	(pc) =	sbr.rel @p0 .LBB2_11-.Ltmp5, $4  }
0x85: {  	[hbm:s0@s11], [sflag:s12] =	dma.strided [spmem:s14@s28], $0x2700, s1, $0x10   }
0x86: {  	_ =	swait.ge [sflag:s24], $0x2700  }
0x87: {  	[sflag:s24] =	ssyncset.done $0x0  }
0x88: {  	[sflag:s24] =	ssyncadd.s32 $0xFFFFD900  }
0x89: {  	s0 =	sshrl.u32 s9, $0x3  }
0x8a: {  	s1 =	rddreg [dreg:$0x7];
	s11 =	simm.s32 $0x8;
	s13 =	simm.s32 $0x180  }
0x8b: {  	[hbm:s1@s13], [sflag:s12] =	dma.strided [spmem:s0@s28], $0x100, s11, $0x10   }
.LBB2_10:
0x8c: {  	_ =	swait.ge [sflag:s24], $0x100  }
0x8d: {  	[sflag:s24] =	ssyncset.done $0x0  }
0x8e: {  	[sflag:s24] =	ssyncadd.s32 $0xFFFFFF00  }
.LBB2_11:
0x8f: {  	[bflag:$0x0] =	sbarrier.arrive $0xFFFF  }
0x90: {  	[spmem:s4] =	stream.linear.scatter [tilespmem:s23], [sflag:$0x1], $0x4000, $0x38;
	[tilespmem:$0x1C180] =	vst v63  }
0x91: {  	_ =	swait.ge [sflag:s24], $0x4000  }
0x92: {  	[sflag:s24] =	ssyncset.done $0x0  }
0x93: {  	[sflag:s24] =	ssyncadd.s32 $0xFFFFC000  }
0x94: {  	[spmem:s5] =	stream.linear.scatter [tilespmem:s23], [sflag:$0x1], $0x4000, $0x38;
	[tilespmem:$0x1C180] =	vst v63  }
0x95: {  	_ =	swait.ge [sflag:s24], $0x4000  }
0x96: {  	[sflag:s24] =	ssyncset.done $0x0  }
0x97: {  	[sflag:s24] =	ssyncadd.s32 $0xFFFFC000  }
0x98: {  	[spmem:s6] =	stream.linear.scatter [tilespmem:s23], [sflag:$0x1], $0x4000, $0x38;
	[tilespmem:$0x1C180] =	vst v63  }
0x99: {  	_ =	swait.ge [sflag:s24], $0x4000  }
0x9a: {  	[sflag:s24] =	ssyncset.done $0x0  }
0x9b: {  	[sflag:s24] =	ssyncadd.s32 $0xFFFFC000  }
0x9c: {  	[spmem:s7] =	stream.linear.scatter [tilespmem:s23], [sflag:$0x1], $0x4000, $0x38;
	[tilespmem:$0x1C180] =	vst v63  }
0x9d: {  	_ =	swait.ge [sflag:s24], $0x4000  }
0x9e: {  	[sflag:s24] =	ssyncset.done $0x0  }
0x9f: {  	[sflag:s24] =	ssyncadd.s32 $0xFFFFC000  }
0xa0: {  	[spmem:s8] =	stream.linear.scatter [tilespmem:s23], [sflag:$0x1], $0x3800, $0x38;
	[tilespmem:$0x1C180] =	vst v63  }
0xa1: {  	_ =	swait.ge [sflag:s24], $0x3800  }
0xa2: {  	[sflag:s24] =	ssyncset.done $0x0  }
0xa3: {  	s0 =	simm.s32 @!p0 $0x4900;
	[sflag:s24] =	ssyncadd.s32 $0xFFFFC800  }
0xa4: {  	[spmem:s9] =	stream.linear.scatter @!p0 [tilespmem:s0], [sflag:$0x1], $0x800, $0x38;
	[tilespmem:$0x1C180] =	vst v63  }
0xa5: {  	s0 =	simm.s32 @!p0 $0x1  }
0xa6: {  	_ =	swait.ge @!p0 [sflag:s0], $0x800  }
0xa7: {  	[sflag:s0] =	ssyncset.done @!p0 $0x0  }
0xa8: {  	[sflag:s0] =	ssyncadd.s32 @!p0 $0xFFFFF800  }
0xa9: {  	s16 =	sadd.s32 $0x0, s21;
	[bflag:$0x0] =	sbarrier.arrive $0xFFFF  }
0xaa: {  	[tilespmem:s3], [sflag:$0x1] =	stream.linear.gather [hbm4b:s16+s3], $0x80, $0x38;
	[tilespmem:$0x1C180] =	vst v63  }
0xab: {  	_ =	swait.ge [sflag:s24], $0x80  }
0xac: {  	[sflag:s24] =	ssyncset.done $0x0  }
0xad: {  	[sflag:s24] =	ssyncadd.s32 $0xFFFFFF80  }
0xae: {  	[tilespmem:s28], [sflag:$0x1] =	stream.strided.gather [hbm4b:s22+s25], $0x4000, s26, s25, $0x38;
	[tilespmem:$0x1C180] =	vst v63  }
0xaf: {  	_ =	swait.ge [sflag:s24], $0x4000  }
0xb0: {  	[sflag:s24] =	ssyncset.done $0x0  }
0xb1: {  	[sflag:s24] =	ssyncadd.s32 $0xFFFFC000  }
0xb2: {  	[spmem:s2] =	stream.indirect.scatter.add.f32 [tilespmem:s28], [sflag:$0x1], $0x80, s3, s28, $0xb8;
	[tilespmem:$0x1C180] =	vst v63  }
0xb3: {  	s13 =	simm.s32 $0x20;
	_ =	swait.ge [sflag:s24], $0x4000  }
0xb4: {  	s1 =	sadd.s32 $0x2000, s22;
	s0 =	simm.s32 $0x10;
	[sflag:s24] =	ssyncset.done $0x0  }
.LBB2_12:
0xb5: {  	s11 =	sadd.s32 s0, s21  }
0xb6: {  	[sflag:s24] =	ssyncadd.s32 $0xFFFFC000;
	s0 =	smov.u32 s13;
	s16 =	sadd.s32 $0x10, s13  }
0xb7: {  	[tilespmem:s3], [sflag:$0x1] =	stream.linear.gather [hbm4b:s11+s3], $0x80, $0x38;
	[tilespmem:$0x1C180] =	vst v63  }
0xb8: {  	p2 =	sne.s32 s13, $0x4D0;
	_ =	swait.ge [sflag:s24], $0x80  }
0xb9: {  	[sflag:s24] =	ssyncset.done $0x0  }
0xba: {  	[sflag:s24] =	ssyncadd.s32 $0xFFFFFF80  }
0xbb: {  	[tilespmem:s28], [sflag:$0x1] =	stream.strided.gather [hbm4b:s1+s25], $0x4000, s26, s25, $0x38;
	[tilespmem:$0x1C180] =	vst v63  }
0xbc: {  	_ =	swait.ge [sflag:s24], $0x4000  }
.Ltmp6:
0xbd: {  	[sflag:s24] =	ssyncset.done $0x0;
	(pc) =	sbr.rel @p2 .LBB2_12-.Ltmp6, $4  }
0xbe: {  	[sflag:s24] =	ssyncadd.s32 $0xFFFFC000  }
0xbf: {  	[spmem:s2] =	stream.indirect.scatter.add.f32 [tilespmem:s28], [sflag:$0x1], $0x80, s3, s28, $0xb8;
	[tilespmem:$0x1C180] =	vst v63  }
0xc0: {  	_ =	swait.ge [sflag:s24], $0x4000  }
0xc1: {  	s13 =	smov.u32 s16;
	s1 =	sadd.s32 $0x2000, s1;
	[sflag:s24] =	ssyncset.done $0x0  }
0xc2: {  	s0 =	sadd.s32 s0, s21;
	[sflag:s24] =	ssyncadd.s32 $0xFFFFC000  }
0xc3: {  	[tilespmem:s3], [sflag:$0x1] =	stream.linear.gather [hbm4b:s0+s3], $0x80, $0x38;
	[tilespmem:$0x1C180] =	vst v63  }
0xc4: {  	_ =	swait.ge [sflag:s24], $0x80  }
0xc5: {  	[sflag:s24] =	ssyncset.done $0x0  }
0xc6: {  	[sflag:s24] =	ssyncadd.s32 $0xFFFFFF80  }
0xc7: {  	[tilespmem:s28], [sflag:$0x1] =	stream.strided.gather [hbm4b:s1+s25], $0x4000, s26, s25, $0x38;
	[tilespmem:$0x1C180] =	vst v63  }
0xc8: {  	_ =	swait.ge [sflag:s24], $0x4000  }
0xc9: {  	[sflag:s24] =	ssyncset.done $0x0  }
0xca: {  	[sflag:s24] =	ssyncadd.s32 $0xFFFFC000  }
0xcb: {  	[spmem:s2] =	stream.indirect.scatter.add.f32 [tilespmem:s28], [sflag:$0x1], $0x80, s3, s28, $0xb8;
	[tilespmem:$0x1C180] =	vst v63  }
0xcc: {  	_ =	swait.ge [sflag:s24], $0x4000  }
0xcd: {  	[sflag:s24] =	ssyncset.done $0x0  }
0xce: {  	[sflag:s24] =	ssyncadd.s32 $0xFFFFC000  }
0xcf: {  	[tilespmem:s29], [sflag:$0x1] =	stream.linear.gather [hbm4b:s10+s3], $0x10, $0x38;
	[tilespmem:$0x1C180] =	vst v63  }
0xd0: {  	_ =	swait.ge [sflag:s24], $0x10  }
0xd1: {  	[sflag:s24] =	ssyncset.done $0x0  }
0xd2: {  	s11 =	rddreg [dreg:$0xa];
	[sflag:s24] =	ssyncadd.s32 $0xFFFFFFF0  }
0xd3: {  	[tilespmem:s30], [sflag:$0x1] =	stream.strided.gather [hbm4b:s11+s25], $0x800, s26, s25, $0x38;
	[tilespmem:$0x1C180] =	vst v63  }
0xd4: {  	_ =	swait.ge [sflag:s24], $0x800  }
0xd5: {  	[sflag:s24] =	ssyncset.done $0x0  }
0xd6: {  	[sflag:s24] =	ssyncadd.s32 $0xFFFFF800  }
0xd7: {  	[spmem:s2] =	stream.indirect.scatter.add.f32 [tilespmem:s30], [sflag:$0x1], $0x80, s29, s31, $0xb8;
	[tilespmem:$0x1C180] =	vst v63  }
0xd8: {  	_ =	swait.ge [sflag:s24], $0x800  }
0xd9: {  	[sflag:s24] =	ssyncset.done $0x0  }
0xda: {  	[sflag:s24] =	ssyncadd.s32 $0xFFFFF800  }
0xdb: {  	s13 =	simm.s32 $0x8;
	s16 =	simm.s32 $0x180;
	[bflag:$0x0] =	sbarrier.arrive $0xFFFF  }
0xdc: {  	[hbm:s17@s16], [sflag:s12] =	dma.strided [spmem:s14@s28], $0x2700, s13, $0x10   }
0xdd: {  	s15 =	sadd.s32 $0x1, s15;
	_ =	swait.ge [sflag:s24], $0x2700  }
0xde: {  	s0 =	sshrl.u32 @!p0 s9, $0x3;
	s1 =	simm.s32 @!p0 $0x8;
	[sflag:s24] =	ssyncset.done $0x0  }
0xdf: {  	s11 =	simm.s32 @!p0 $0x180;
	s13 =	simm.s32 @!p0 $0x80;
	[sflag:s24] =	ssyncadd.s32 $0xFFFFD900  }
0xe0: {  	[hbm:s18@s11], [sflag:s12] =	dma.strided @!p0 [spmem:s0@s13], $0x100, s1, $0x10   }
0xe1: {  	p2 =	sne.s32 s15, s19;
	s0 =	simm.s32 @!p0 $0x1  }
.Ltmp7:
0xe2: {  	_ =	swait.ge @!p0 [sflag:s0], $0x100;
	(pc) =	sbr.rel @p2 .LBB2_1-.Ltmp7, $3  }
0xe3: {  	[sflag:s0] =	ssyncset.done @!p0 $0x0  }
0xe4: {  	[sflag:s0] =	ssyncadd.s32 @!p0 $0xFFFFFF00  }
0xe5: {  	[bflag:$0x0] =	sbarrier.arrive $0xFFFF;
	_ =	sdelay $0x1  }
0xe6: {  	_ =	sfence.sel $0x180000  }
0xe7: {  	[bflag:$0x0] =	sbarrier.arrive $0xFFFF  }
0xe8: {  	_ =	strace $0x9000004A  }
0xe9: {  	s0 =	stileid.u32;
	[bflag:$0x2] =	sbarrier.arrive $0xFFFF  }
0xea: {  	p0 =	sne.s32 s0, $0x0;
	s0 =	rddreg [dreg:$0x4]  }
0xeb: {  	s0 =	sadd.s32 @!p0 $0x100000, s0  }
0xec: {  	[sflag:s0] =	ssyncadd.tile.s32 @!p0 $0x1;
	_ =	shalt  }
.Lfunc_end2:
_tile_overlayer_lowered:
.L_overlay_start_2:
0xed: {  	(tag) =	ssettag $0x2  }
0xee: {  	s0 =	rddreg [dreg:$0x0];
	s2 =	stileid.u32  }
0xef: {  	s1 =	rddreg [dreg:$0x1];
	p0 =	sne.s32 s2, $0x0  }
0xf0: {  	s3 =	rddreg [dreg:$0x2];
	[bflag:$0x3] =	sbarrier.arrive $0xFFFF;
	s2 =	simm.s32 @!p0 $0x1C01  }
0xf1: {  	[timem:s3], [sflag:s2] =	dma.local @!p0 [hbm:s0], s1  }
0xf2: {  	s0 =	simm.s32 @!p0 $0x1  }
0xf3: {  	_ =	swait.ge @!p0 [sflag:s0], s1  }
0xf4: {  	s1 =	ssub.s32 @!p0 $0x0, s1;
	[sflag:s0] =	ssyncset.done @!p0 $0x0  }
0xf5: {  	[sflag:s0] =	ssyncadd.s32 @!p0 s1  }
0xf6: {  	[bflag:$0x3] =	sbarrier.arrive $0xFFFF  }
0xf7: {  	_ =	shalt  }

</sc_bundles>
